<compile_context>
chip_gen: v7x
topology: tpu7x:2x2x1
jax: 0.10.2.dev20260603
libtpu: 0.0.44.dev20260713+nightly
codegen_flags: <defaults>
</compile_context>

<pallas_src>
import functools

import jax
import jax.numpy as jnp
from jax import lax
from jax.experimental import pallas as pl
from jax.experimental.pallas import tpu as pltpu
from jax.experimental.pallas import tpu_sc as plsc

DIM = 128
BATCH = 16384
NUM_WORKERS = 32
ROWS_PER_WORKER = BATCH // NUM_WORKERS
CHUNK = 128
NUM_CHUNKS = ROWS_PER_WORKER // CHUNK
NUM_PAIRS = NUM_CHUNKS // 2
LANES = 16
GROUPS = DIM // LANES


def _permute_body(x_hbm, idx_hbm, out_hbm, ld_hbm, idx_v, zeros_v, in_bufs,
                  out_bufs, sems_in, sems_out, sem_ld):
    wid = lax.axis_index("s") * 2 + lax.axis_index("c")
    base = wid * ROWS_PER_WORKER

    def in_slice(c):
        return x_hbm.at[pl.ds((base + c * CHUNK) * DIM, CHUNK * DIM)]

    def out_slice(c):
        return out_hbm.at[pl.ds((base + c * CHUNK) * DIM, CHUNK * DIM)]

    def start_in(c, s):
        pltpu.make_async_copy(in_slice(c), in_bufs[s], sems_in[s]).start()

    def wait_in(c, s):
        pltpu.make_async_copy(in_slice(c), in_bufs[s], sems_in[s]).wait()

    def start_out(c, s):
        pltpu.make_async_copy(out_bufs[s], out_slice(c), sems_out[s]).start()

    def wait_out(c, s):
        pltpu.make_async_copy(out_bufs[s], out_slice(c), sems_out[s]).wait()

    def compute(s):
        in_v = in_bufs[s]
        out_v = out_bufs[s]

        @plsc.parallel_loop(0, CHUNK, step=1, unroll=1)
        def _row(b):
            rb = b * DIM
            for g in range(GROUPS):
                out_v[pl.ds(rb + g * LANES, LANES)] = plsc.load_gather(
                    in_v, [col_idx[g] + rb]
                )

    start_in(0, 0)
    pltpu.sync_copy(idx_hbm, idx_v)
    col_idx = [idx_v[pl.ds(g * LANES, LANES)] for g in range(GROUPS)]

    @plsc.parallel_loop(0, ROWS_PER_WORKER, step=LANES)
    def _zrow(i):
        zeros_v[pl.ds(i, LANES)] = jnp.zeros((LANES,), jnp.float32)

    ld_copy = pltpu.async_copy(
        zeros_v, ld_hbm.at[pl.ds(base, ROWS_PER_WORKER)], sem_ld
    )

    def pair_body(p, carry):
        for s in (0, 1):
            c = 2 * p + s

            @pl.when(jnp.logical_or(p < NUM_PAIRS - 1, s == 0))
            def _():
                start_in(c + 1, 1 - s)

            wait_in(c, s)

            @pl.when(p > 0)
            def _():
                wait_out(c - 2, s)

            compute(s)
            start_out(c, s)
        return carry

    lax.fori_loop(0, NUM_PAIRS, pair_body, 0)
    wait_out(NUM_CHUNKS - 2, 0)
    wait_out(NUM_CHUNKS - 1, 1)
    ld_copy.wait()


_permute = functools.partial(
    pl.kernel,
    mesh=plsc.VectorSubcoreMesh(core_axis_name="c", subcore_axis_name="s"),
    out_type=(
        jax.ShapeDtypeStruct((BATCH * DIM,), jnp.float32),
        jax.ShapeDtypeStruct((BATCH,), jnp.float32),
    ),
    scratch_types=[
        pltpu.VMEM((DIM,), jnp.int32),
        pltpu.VMEM((ROWS_PER_WORKER,), jnp.float32),
        [pltpu.VMEM((CHUNK * DIM,), jnp.float32) for _ in range(2)],
        [pltpu.VMEM((CHUNK * DIM,), jnp.float32) for _ in range(2)],
        [pltpu.SemaphoreType.DMA for _ in range(2)],
        [pltpu.SemaphoreType.DMA for _ in range(2)],
        pltpu.SemaphoreType.DMA,
    ],
    compiler_params=pltpu.CompilerParams(needs_layout_passes=False),
)(_permute_body)


@jax.jit
def kernel(x, index):
    z, log_det = _permute(x.reshape(BATCH * DIM), index)
    return (z.reshape(BATCH, DIM), log_det)

# --- scband reference (transcript-rebuilt; emitter-appended) ---
"""Pipeline reference for scband-permute-9698036154972 (READ-ONLY COPY).

The authoritative reference and input builder live on the scoring server;
editing this copy changes nothing except your own understanding.
"""

import jax, jax.numpy as jnp
import numpy as np

DIM = 128
BATCH = 16384

def setup_inputs(seed: int = 0) -> dict:
    key = jax.random.key(seed)
    x = jax.random.normal(key, (BATCH, DIM), dtype=jnp.float32)
    # module 'parameter': a fixed random permutation of the feature dim,
    # created at __init__ time (np.random.permutation(dim))
    rng = np.random.RandomState(0)
    index = jnp.asarray(rng.permutation(DIM), dtype=jnp.int32)
    return {"x": x, "index": index}

def reference(x, index):
    # z = x[:, self.index]  -> gather along axis 1
    z = jnp.take(x, index, axis=1)
    log_det = jnp.zeros((x.shape[0],), dtype=jnp.float32)
    return (z, log_det)

if __name__ == "__main__":
    import jax
    _d = setup_inputs()
    print(jax.jit(kernel)(*tuple(_d.values())))

</pallas_src>

<mosaic_0001>
#map = affine_map<(d0, d1) -> (0)>
module attributes {stable_mosaic.version = 14 : i64} {
  func.func @_permute_body(%arg0: i32, %arg1: i32, %arg2: memref<2097152xf32, #tpu.memory_space<hbm>>, %arg3: memref<128xi32, #tpu.memory_space<hbm>>, %arg4: memref<2097152xf32, #tpu.memory_space<hbm>>, %arg5: memref<16384xf32, #tpu.memory_space<hbm>>, %arg6: memref<128xi32, #tpu.memory_space<vmem>>, %arg7: memref<512xf32, #tpu.memory_space<vmem>>, %arg8: memref<16384xf32, #tpu.memory_space<vmem>>, %arg9: memref<16384xf32, #tpu.memory_space<vmem>>, %arg10: memref<16384xf32, #tpu.memory_space<vmem>>, %arg11: memref<16384xf32, #tpu.memory_space<vmem>>, %arg12: memref<!tpu.dma_semaphore, #tpu.memory_space<semaphore_mem>>, %arg13: memref<!tpu.dma_semaphore, #tpu.memory_space<semaphore_mem>>, %arg14: memref<!tpu.dma_semaphore, #tpu.memory_space<semaphore_mem>>, %arg15: memref<!tpu.dma_semaphore, #tpu.memory_space<semaphore_mem>>, %arg16: memref<!tpu.dma_semaphore, #tpu.memory_space<semaphore_mem>>) attributes {dimension_semantics = [#tpu.dimension_semantics<core_parallel>, #tpu.dimension_semantics<subcore_parallel>], iteration_bounds = array<i64: 2, 16>, scalar_prefetch = 0 : i64, scratch_operands = 11 : i64, tpu.core_type = #tpu.core_type<sc_vector_subcore>, window_params = [{transform_indices = #map}, {transform_indices = #map}, {transform_indices = #map}, {transform_indices = #map}]} {
    %mul3A = arith.constant 2 : i32
    %mul3A_0 = arith.muli %arg1, %mul3A : i32
    %add3A = arith.addi %mul3A_0, %arg0 : i32
    %mul3A_1 = arith.constant 512 : i32
    %mul3A_2 = arith.muli %add3A, %mul3A_1 : i32
    %add3A_3 = arith.constant 0 : i32
    %add3A_4 = arith.addi %mul3A_2, %add3A_3 : i32
    %mul3A_5 = arith.constant 128 : i32
    %mul3A_6 = arith.muli %add3A_4, %mul3A_5 : i32
    %dma_start3A = tpu.memref_slice %arg2[%mul3A_6] : memref<2097152xf32, #tpu.memory_space<hbm>> -> memref<16384xf32, #tpu.memory_space<hbm>>
    %dma_start3A_7 = tpu.memref_slice %arg2[%mul3A_6] : memref<2097152xf32, #tpu.memory_space<hbm>> -> memref<16384xf32, #tpu.memory_space<hbm>>
    tpu.enqueue_dma source(%dma_start3A_7 : memref<16384xf32, #tpu.memory_space<hbm>>) target(%arg8 : memref<16384xf32, #tpu.memory_space<vmem>>) target_semaphore(%arg12 : memref<!tpu.dma_semaphore, #tpu.memory_space<semaphore_mem>>)
    "tpu.region"() ({
      %run_scoped3A = tpu.sem_alloc : memref<!tpu.dma_semaphore, #tpu.memory_space<semaphore_mem>>
      tpu.enqueue_dma source(%arg3 : memref<128xi32, #tpu.memory_space<hbm>>) target(%arg6 : memref<128xi32, #tpu.memory_space<vmem>>) target_semaphore(%run_scoped3A : memref<!tpu.dma_semaphore, #tpu.memory_space<semaphore_mem>>)
      tpu.wait_dma2 semaphore(%run_scoped3A : memref<!tpu.dma_semaphore, #tpu.memory_space<semaphore_mem>>) src(%arg3 : memref<128xi32, #tpu.memory_space<hbm>>) dst(%arg6 : memref<128xi32, #tpu.memory_space<vmem>>)
      tpu.yield
    }) : () -> ()
    %get3A = arith.constant 0 : index
    %get3A_8 = tpu.vector_load %arg6[%get3A] {strides = array<i32>} : memref<128xi32, #tpu.memory_space<vmem>>, vector<16xi32>,
    %get3A_9 = arith.constant 16 : index
    %get3A_10 = tpu.vector_load %arg6[%get3A_9] {strides = array<i32>} : memref<128xi32, #tpu.memory_space<vmem>>, vector<16xi32>,
    %get3A_11 = arith.constant 32 : index
    %get3A_12 = tpu.vector_load %arg6[%get3A_11] {strides = array<i32>} : memref<128xi32, #tpu.memory_space<vmem>>, vector<16xi32>,
    %get3A_13 = arith.constant 48 : index
    %get3A_14 = tpu.vector_load %arg6[%get3A_13] {strides = array<i32>} : memref<128xi32, #tpu.memory_space<vmem>>, vector<16xi32>,
    %get3A_15 = arith.constant 64 : index
    %get3A_16 = tpu.vector_load %arg6[%get3A_15] {strides = array<i32>} : memref<128xi32, #tpu.memory_space<vmem>>, vector<16xi32>,
    %get3A_17 = arith.constant 80 : index
    %get3A_18 = tpu.vector_load %arg6[%get3A_17] {strides = array<i32>} : memref<128xi32, #tpu.memory_space<vmem>>, vector<16xi32>,
    %get3A_19 = arith.constant 96 : index
    %get3A_20 = tpu.vector_load %arg6[%get3A_19] {strides = array<i32>} : memref<128xi32, #tpu.memory_space<vmem>>, vector<16xi32>,
    %get3A_21 = arith.constant 112 : index
    %get3A_22 = tpu.vector_load %arg6[%get3A_21] {strides = array<i32>} : memref<128xi32, #tpu.memory_space<vmem>>, vector<16xi32>,
    %parallel_loop3A = arith.constant 0 : i32
    %parallel_loop3A_23 = arith.constant 512 : i32
    %parallel_loop3A_24 = arith.constant 16 : i32
    scf.for %parallel_loop3A_45 = %parallel_loop3A to %parallel_loop3A_23 step %parallel_loop3A_24  : i32 {
      %parallel_loop3A_46 = arith.constant 0.000000e+00 : f32
      %parallel_loop3A_47 = vector.broadcast %parallel_loop3A_46 : f32 to vector<16xf32>
      %parallel_loop3A_48 = arith.index_cast %parallel_loop3A_45 : i32 to index
      %parallel_loop3A_49 = tpu.vector_load %arg7[%parallel_loop3A_48] {strides = array<i32>} : memref<512xf32, #tpu.memory_space<vmem>>, vector<16xf32>,
      tpu.vector_store %arg7[%parallel_loop3A_48], %parallel_loop3A_47 {strides = array<i32>} : memref<512xf32, #tpu.memory_space<vmem>>, vector<16xf32>,
    } {sc.loop_unroll_factor = 1 : i64, sc.parallel_access}
    %dma_start3A_25 = tpu.memref_slice %arg5[%mul3A_2] : memref<16384xf32, #tpu.memory_space<hbm>> -> memref<512xf32, #tpu.memory_space<hbm>>
    %dma_start3A_26 = tpu.memref_slice %arg5[%mul3A_2] : memref<16384xf32, #tpu.memory_space<hbm>> -> memref<512xf32, #tpu.memory_space<hbm>>
    tpu.enqueue_dma source(%arg7 : memref<512xf32, #tpu.memory_space<vmem>>) target(%dma_start3A_26 : memref<512xf32, #tpu.memory_space<hbm>>) target_semaphore(%arg16 : memref<!tpu.dma_semaphore, #tpu.memory_space<semaphore_mem>>)
    %scan3A = arith.constant 0 : i32
    %scan3A_27 = arith.constant 0 : i32
    %scan3A_28 = arith.constant 2 : i32
    %scan3A_29 = arith.addi %scan3A_27, %scan3A_28 : i32
    %scan3A_30 = arith.constant 1 : i32
    scf.for %scan3A_45 = %scan3A_27 to %scan3A_29 step %scan3A_30  : i32 {
      %mul3A_46 = arith.constant 2 : i32
      %mul3A_47 = arith.muli %mul3A_46, %scan3A_45 : i32
      %add3A_48 = arith.constant 0 : i32
      %add3A_49 = arith.addi %mul3A_47, %add3A_48 : i32
      %lt3A = arith.constant 1 : i32
      %lt3A_50 = arith.cmpi slt, %scan3A_45, %lt3A : i32
      %or3A = arith.constant true
      %or3A_51 = arith.ori %lt3A_50, %or3A : i1
      %convert_element_type3A = arith.extui %or3A_51 : i1 to i32
      %cond3A = arith.constant 0 : i32
      %cond3A_52 = arith.cmpi ne, %convert_element_type3A, %cond3A : i32
      scf.if %cond3A_52 {
        %add3A_107 = arith.constant 1 : i32
        %add3A_108 = arith.addi %add3A_49, %add3A_107 : i32
        %mul3A_109 = arith.constant 128 : i32
        %mul3A_110 = arith.muli %add3A_108, %mul3A_109 : i32
        %add3A_111 = arith.addi %mul3A_2, %mul3A_110 : i32
        %mul3A_112 = arith.constant 128 : i32
        %mul3A_113 = arith.muli %add3A_111, %mul3A_112 : i32
        %dma_start3A_114 = tpu.memref_slice %arg2[%mul3A_113] : memref<2097152xf32, #tpu.memory_space<hbm>> -> memref<16384xf32, #tpu.memory_space<hbm>>
        %dma_start3A_115 = tpu.memref_slice %arg2[%mul3A_113] : memref<2097152xf32, #tpu.memory_space<hbm>> -> memref<16384xf32, #tpu.memory_space<hbm>>
        tpu.enqueue_dma source(%dma_start3A_115 : memref<16384xf32, #tpu.memory_space<hbm>>) target(%arg9 : memref<16384xf32, #tpu.memory_space<vmem>>) target_semaphore(%arg13 : memref<!tpu.dma_semaphore, #tpu.memory_space<semaphore_mem>>)
      } else {
      }
      %mul3A_53 = arith.constant 128 : i32
      %mul3A_54 = arith.muli %add3A_49, %mul3A_53 : i32
      %add3A_55 = arith.addi %mul3A_2, %mul3A_54 : i32
      %mul3A_56 = arith.constant 128 : i32
      %mul3A_57 = arith.muli %add3A_55, %mul3A_56 : i32
      %dma_wait3A_58 = tpu.memref_slice %arg2[%mul3A_57] : memref<2097152xf32, #tpu.memory_space<hbm>> -> memref<16384xf32, #tpu.memory_space<hbm>>
      %dma_wait3A_59 = tpu.memref_slice %arg2[%mul3A_57] : memref<2097152xf32, #tpu.memory_space<hbm>> -> memref<16384xf32, #tpu.memory_space<hbm>>
      tpu.wait_dma2 semaphore(%arg12 : memref<!tpu.dma_semaphore, #tpu.memory_space<semaphore_mem>>) src(%dma_wait3A_59 : memref<16384xf32, #tpu.memory_space<hbm>>) dst(%arg8 : memref<16384xf32, #tpu.memory_space<vmem>>)
      %gt3A = arith.constant 0 : i32
      %gt3A_60 = arith.cmpi sgt, %scan3A_45, %gt3A : i32
      %convert_element_type3A_61 = arith.extui %gt3A_60 : i1 to i32
      %cond3A_62 = arith.constant 0 : i32
      %cond3A_63 = arith.cmpi ne, %convert_element_type3A_61, %cond3A_62 : i32
      scf.if %cond3A_63 {
        %sub3A = arith.constant 2 : i32
        %sub3A_107 = arith.subi %add3A_49, %sub3A : i32
        %mul3A_108 = arith.constant 128 : i32
        %mul3A_109 = arith.muli %sub3A_107, %mul3A_108 : i32
        %add3A_110 = arith.addi %mul3A_2, %mul3A_109 : i32
        %mul3A_111 = arith.constant 128 : i32
        %mul3A_112 = arith.muli %add3A_110, %mul3A_111 : i32
        %dma_wait3A_113 = tpu.memref_slice %arg4[%mul3A_112] : memref<2097152xf32, #tpu.memory_space<hbm>> -> memref<16384xf32, #tpu.memory_space<hbm>>
        %dma_wait3A_114 = tpu.memref_slice %arg4[%mul3A_112] : memref<2097152xf32, #tpu.memory_space<hbm>> -> memref<16384xf32, #tpu.memory_space<hbm>>
        tpu.wait_dma2 semaphore(%arg14 : memref<!tpu.dma_semaphore, #tpu.memory_space<semaphore_mem>>) src(%arg10 : memref<16384xf32, #tpu.memory_space<vmem>>) dst(%dma_wait3A_114 : memref<16384xf32, #tpu.memory_space<hbm>>)
      } else {
      }
      %parallel_loop3A_64 = arith.constant 0 : i32
      %parallel_loop3A_65 = arith.constant 128 : i32
      %parallel_loop3A_66 = arith.constant 1 : i32
      scf.for %parallel_loop3A_107 = %parallel_loop3A_64 to %parallel_loop3A_65 step %parallel_loop3A_66  : i32 {
        %parallel_loop3A_108 = arith.constant 128 : i32
        %parallel_loop3A_109 = arith.muli %parallel_loop3A_107, %parallel_loop3A_108 : i32
        %parallel_loop3A_110 = vector.broadcast %parallel_loop3A_109 : i32 to vector<16xi32>
        %parallel_loop3A_111 = arith.addi %get3A_8, %parallel_loop3A_110 : vector<16xi32>
        %parallel_loop3A_112 = tpu.vector_load_idx %arg8[%parallel_loop3A_111] : memref<16384xf32, #tpu.memory_space<vmem>>[vector<16xi32>], vector<16xf32>,
        %parallel_loop3A_113 = arith.constant 0 : i32
        %parallel_loop3A_114 = arith.addi %parallel_loop3A_109, %parallel_loop3A_113 : i32
        %parallel_loop3A_115 = arith.index_cast %parallel_loop3A_114 : i32 to index
        %parallel_loop3A_116 = tpu.vector_load %arg10[%parallel_loop3A_115] {strides = array<i32>} : memref<16384xf32, #tpu.memory_space<vmem>>, vector<16xf32>,
        tpu.vector_store %arg10[%parallel_loop3A_115], %parallel_loop3A_112 {strides = array<i32>} : memref<16384xf32, #tpu.memory_space<vmem>>, vector<16xf32>,
        %parallel_loop3A_117 = vector.broadcast %parallel_loop3A_109 : i32 to vector<16xi32>
        %parallel_loop3A_118 = arith.addi %get3A_10, %parallel_loop3A_117 : vector<16xi32>
        %parallel_loop3A_119 = tpu.vector_load_idx %arg8[%parallel_loop3A_118] : memref<16384xf32, #tpu.memory_space<vmem>>[vector<16xi32>], vector<16xf32>,
        %parallel_loop3A_120 = arith.constant 16 : i32
        %parallel_loop3A_121 = arith.addi %parallel_loop3A_109, %parallel_loop3A_120 : i32
        %parallel_loop3A_122 = arith.index_cast %parallel_loop3A_121 : i32 to index
        %parallel_loop3A_123 = tpu.vector_load %arg10[%parallel_loop3A_122] {strides = array<i32>} : memref<16384xf32, #tpu.memory_space<vmem>>, vector<16xf32>,
        tpu.vector_store %arg10[%parallel_loop3A_122], %parallel_loop3A_119 {strides = array<i32>} : memref<16384xf32, #tpu.memory_space<vmem>>, vector<16xf32>,
        %parallel_loop3A_124 = vector.broadcast %parallel_loop3A_109 : i32 to vector<16xi32>
        %parallel_loop3A_125 = arith.addi %get3A_12, %parallel_loop3A_124 : vector<16xi32>
        %parallel_loop3A_126 = tpu.vector_load_idx %arg8[%parallel_loop3A_125] : memref<16384xf32, #tpu.memory_space<vmem>>[vector<16xi32>], vector<16xf32>,
        %parallel_loop3A_127 = arith.constant 32 : i32
        %parallel_loop3A_128 = arith.addi %parallel_loop3A_109, %parallel_loop3A_127 : i32
        %parallel_loop3A_129 = arith.index_cast %parallel_loop3A_128 : i32 to index
        %parallel_loop3A_130 = tpu.vector_load %arg10[%parallel_loop3A_129] {strides = array<i32>} : memref<16384xf32, #tpu.memory_space<vmem>>, vector<16xf32>,
        tpu.vector_store %arg10[%parallel_loop3A_129], %parallel_loop3A_126 {strides = array<i32>} : memref<16384xf32, #tpu.memory_space<vmem>>, vector<16xf32>,
        %parallel_loop3A_131 = vector.broadcast %parallel_loop3A_109 : i32 to vector<16xi32>
        %parallel_loop3A_132 = arith.addi %get3A_14, %parallel_loop3A_131 : vector<16xi32>
        %parallel_loop3A_133 = tpu.vector_load_idx %arg8[%parallel_loop3A_132] : memref<16384xf32, #tpu.memory_space<vmem>>[vector<16xi32>], vector<16xf32>,
        %parallel_loop3A_134 = arith.constant 48 : i32
        %parallel_loop3A_135 = arith.addi %parallel_loop3A_109, %parallel_loop3A_134 : i32
        %parallel_loop3A_136 = arith.index_cast %parallel_loop3A_135 : i32 to index
        %parallel_loop3A_137 = tpu.vector_load %arg10[%parallel_loop3A_136] {strides = array<i32>} : memref<16384xf32, #tpu.memory_space<vmem>>, vector<16xf32>,
        tpu.vector_store %arg10[%parallel_loop3A_136], %parallel_loop3A_133 {strides = array<i32>} : memref<16384xf32, #tpu.memory_space<vmem>>, vector<16xf32>,
        %parallel_loop3A_138 = vector.broadcast %parallel_loop3A_109 : i32 to vector<16xi32>
        %parallel_loop3A_139 = arith.addi %get3A_16, %parallel_loop3A_138 : vector<16xi32>
        %parallel_loop3A_140 = tpu.vector_load_idx %arg8[%parallel_loop3A_139] : memref<16384xf32, #tpu.memory_space<vmem>>[vector<16xi32>], vector<16xf32>,
        %parallel_loop3A_141 = arith.constant 64 : i32
        %parallel_loop3A_142 = arith.addi %parallel_loop3A_109, %parallel_loop3A_141 : i32
        %parallel_loop3A_143 = arith.index_cast %parallel_loop3A_142 : i32 to index
        %parallel_loop3A_144 = tpu.vector_load %arg10[%parallel_loop3A_143] {strides = array<i32>} : memref<16384xf32, #tpu.memory_space<vmem>>, vector<16xf32>,
        tpu.vector_store %arg10[%parallel_loop3A_143], %parallel_loop3A_140 {strides = array<i32>} : memref<16384xf32, #tpu.memory_space<vmem>>, vector<16xf32>,
        %parallel_loop3A_145 = vector.broadcast %parallel_loop3A_109 : i32 to vector<16xi32>
        %parallel_loop3A_146 = arith.addi %get3A_18, %parallel_loop3A_145 : vector<16xi32>
        %parallel_loop3A_147 = tpu.vector_load_idx %arg8[%parallel_loop3A_146] : memref<16384xf32, #tpu.memory_space<vmem>>[vector<16xi32>], vector<16xf32>,
        %parallel_loop3A_148 = arith.constant 80 : i32
        %parallel_loop3A_149 = arith.addi %parallel_loop3A_109, %parallel_loop3A_148 : i32
        %parallel_loop3A_150 = arith.index_cast %parallel_loop3A_149 : i32 to index
        %parallel_loop3A_151 = tpu.vector_load %arg10[%parallel_loop3A_150] {strides = array<i32>} : memref<16384xf32, #tpu.memory_space<vmem>>, vector<16xf32>,
        tpu.vector_store %arg10[%parallel_loop3A_150], %parallel_loop3A_147 {strides = array<i32>} : memref<16384xf32, #tpu.memory_space<vmem>>, vector<16xf32>,
        %parallel_loop3A_152 = vector.broadcast %parallel_loop3A_109 : i32 to vector<16xi32>
        %parallel_loop3A_153 = arith.addi %get3A_20, %parallel_loop3A_152 : vector<16xi32>
        %parallel_loop3A_154 = tpu.vector_load_idx %arg8[%parallel_loop3A_153] : memref<16384xf32, #tpu.memory_space<vmem>>[vector<16xi32>], vector<16xf32>,
        %parallel_loop3A_155 = arith.constant 96 : i32
        %parallel_loop3A_156 = arith.addi %parallel_loop3A_109, %parallel_loop3A_155 : i32
        %parallel_loop3A_157 = arith.index_cast %parallel_loop3A_156 : i32 to index
        %parallel_loop3A_158 = tpu.vector_load %arg10[%parallel_loop3A_157] {strides = array<i32>} : memref<16384xf32, #tpu.memory_space<vmem>>, vector<16xf32>,
        tpu.vector_store %arg10[%parallel_loop3A_157], %parallel_loop3A_154 {strides = array<i32>} : memref<16384xf32, #tpu.memory_space<vmem>>, vector<16xf32>,
        %parallel_loop3A_159 = vector.broadcast %parallel_loop3A_109 : i32 to vector<16xi32>
        %parallel_loop3A_160 = arith.addi %get3A_22, %parallel_loop3A_159 : vector<16xi32>
        %parallel_loop3A_161 = tpu.vector_load_idx %arg8[%parallel_loop3A_160] : memref<16384xf32, #tpu.memory_space<vmem>>[vector<16xi32>], vector<16xf32>,
        %parallel_loop3A_162 = arith.constant 112 : i32
        %parallel_loop3A_163 = arith.addi %parallel_loop3A_109, %parallel_loop3A_162 : i32
        %parallel_loop3A_164 = arith.index_cast %parallel_loop3A_163 : i32 to index
        %parallel_loop3A_165 = tpu.vector_load %arg10[%parallel_loop3A_164] {strides = array<i32>} : memref<16384xf32, #tpu.memory_space<vmem>>, vector<16xf32>,
        tpu.vector_store %arg10[%parallel_loop3A_164], %parallel_loop3A_161 {strides = array<i32>} : memref<16384xf32, #tpu.memory_space<vmem>>, vector<16xf32>,
      } {sc.loop_unroll_factor = 1 : i64, sc.parallel_access}
      %mul3A_67 = arith.constant 128 : i32
      %mul3A_68 = arith.muli %add3A_49, %mul3A_67 : i32
      %add3A_69 = arith.addi %mul3A_2, %mul3A_68 : i32
      %mul3A_70 = arith.constant 128 : i32
      %mul3A_71 = arith.muli %add3A_69, %mul3A_70 : i32
      %dma_start3A_72 = tpu.memref_slice %arg4[%mul3A_71] : memref<2097152xf32, #tpu.memory_space<hbm>> -> memref<16384xf32, #tpu.memory_space<hbm>>
      %dma_start3A_73 = tpu.memref_slice %arg4[%mul3A_71] : memref<2097152xf32, #tpu.memory_space<hbm>> -> memref<16384xf32, #tpu.memory_space<hbm>>
      tpu.enqueue_dma source(%arg10 : memref<16384xf32, #tpu.memory_space<vmem>>) target(%dma_start3A_73 : memref<16384xf32, #tpu.memory_space<hbm>>) target_semaphore(%arg14 : memref<!tpu.dma_semaphore, #tpu.memory_space<semaphore_mem>>)
      %mul3A_74 = arith.constant 2 : i32
      %mul3A_75 = arith.muli %mul3A_74, %scan3A_45 : i32
      %add3A_76 = arith.constant 1 : i32
      %add3A_77 = arith.addi %mul3A_75, %add3A_76 : i32
      %lt3A_78 = arith.constant 1 : i32
      %lt3A_79 = arith.cmpi slt, %scan3A_45, %lt3A_78 : i32
      %or3A_80 = arith.constant false
      %or3A_81 = arith.ori %lt3A_79, %or3A_80 : i1
      %convert_element_type3A_82 = arith.extui %or3A_81 : i1 to i32
      %cond3A_83 = arith.constant 0 : i32
      %cond3A_84 = arith.cmpi ne, %convert_element_type3A_82, %cond3A_83 : i32
      scf.if %cond3A_84 {
        %add3A_107 = arith.constant 1 : i32
        %add3A_108 = arith.addi %add3A_77, %add3A_107 : i32
        %mul3A_109 = arith.constant 128 : i32
        %mul3A_110 = arith.muli %add3A_108, %mul3A_109 : i32
        %add3A_111 = arith.addi %mul3A_2, %mul3A_110 : i32
        %mul3A_112 = arith.constant 128 : i32
        %mul3A_113 = arith.muli %add3A_111, %mul3A_112 : i32
        %dma_start3A_114 = tpu.memref_slice %arg2[%mul3A_113] : memref<2097152xf32, #tpu.memory_space<hbm>> -> memref<16384xf32, #tpu.memory_space<hbm>>
        %dma_start3A_115 = tpu.memref_slice %arg2[%mul3A_113] : memref<2097152xf32, #tpu.memory_space<hbm>> -> memref<16384xf32, #tpu.memory_space<hbm>>
        tpu.enqueue_dma source(%dma_start3A_115 : memref<16384xf32, #tpu.memory_space<hbm>>) target(%arg8 : memref<16384xf32, #tpu.memory_space<vmem>>) target_semaphore(%arg12 : memref<!tpu.dma_semaphore, #tpu.memory_space<semaphore_mem>>)
      } else {
      }
      %mul3A_85 = arith.constant 128 : i32
      %mul3A_86 = arith.muli %add3A_77, %mul3A_85 : i32
      %add3A_87 = arith.addi %mul3A_2, %mul3A_86 : i32
      %mul3A_88 = arith.constant 128 : i32
      %mul3A_89 = arith.muli %add3A_87, %mul3A_88 : i32
      %dma_wait3A_90 = tpu.memref_slice %arg2[%mul3A_89] : memref<2097152xf32, #tpu.memory_space<hbm>> -> memref<16384xf32, #tpu.memory_space<hbm>>
      %dma_wait3A_91 = tpu.memref_slice %arg2[%mul3A_89] : memref<2097152xf32, #tpu.memory_space<hbm>> -> memref<16384xf32, #tpu.memory_space<hbm>>
      tpu.wait_dma2 semaphore(%arg13 : memref<!tpu.dma_semaphore, #tpu.memory_space<semaphore_mem>>) src(%dma_wait3A_91 : memref<16384xf32, #tpu.memory_space<hbm>>) dst(%arg9 : memref<16384xf32, #tpu.memory_space<vmem>>)
      %gt3A_92 = arith.constant 0 : i32
      %gt3A_93 = arith.cmpi sgt, %scan3A_45, %gt3A_92 : i32
      %convert_element_type3A_94 = arith.extui %gt3A_93 : i1 to i32
      %cond3A_95 = arith.constant 0 : i32
      %cond3A_96 = arith.cmpi ne, %convert_element_type3A_94, %cond3A_95 : i32
      scf.if %cond3A_96 {
        %sub3A = arith.constant 2 : i32
        %sub3A_107 = arith.subi %add3A_77, %sub3A : i32
        %mul3A_108 = arith.constant 128 : i32
        %mul3A_109 = arith.muli %sub3A_107, %mul3A_108 : i32
        %add3A_110 = arith.addi %mul3A_2, %mul3A_109 : i32
        %mul3A_111 = arith.constant 128 : i32
        %mul3A_112 = arith.muli %add3A_110, %mul3A_111 : i32
        %dma_wait3A_113 = tpu.memref_slice %arg4[%mul3A_112] : memref<2097152xf32, #tpu.memory_space<hbm>> -> memref<16384xf32, #tpu.memory_space<hbm>>
        %dma_wait3A_114 = tpu.memref_slice %arg4[%mul3A_112] : memref<2097152xf32, #tpu.memory_space<hbm>> -> memref<16384xf32, #tpu.memory_space<hbm>>
        tpu.wait_dma2 semaphore(%arg15 : memref<!tpu.dma_semaphore, #tpu.memory_space<semaphore_mem>>) src(%arg11 : memref<16384xf32, #tpu.memory_space<vmem>>) dst(%dma_wait3A_114 : memref<16384xf32, #tpu.memory_space<hbm>>)
      } else {
      }
      %parallel_loop3A_97 = arith.constant 0 : i32
      %parallel_loop3A_98 = arith.constant 128 : i32
      %parallel_loop3A_99 = arith.constant 1 : i32
      scf.for %parallel_loop3A_107 = %parallel_loop3A_97 to %parallel_loop3A_98 step %parallel_loop3A_99  : i32 {
        %parallel_loop3A_108 = arith.constant 128 : i32
        %parallel_loop3A_109 = arith.muli %parallel_loop3A_107, %parallel_loop3A_108 : i32
        %parallel_loop3A_110 = vector.broadcast %parallel_loop3A_109 : i32 to vector<16xi32>
        %parallel_loop3A_111 = arith.addi %get3A_8, %parallel_loop3A_110 : vector<16xi32>
        %parallel_loop3A_112 = tpu.vector_load_idx %arg9[%parallel_loop3A_111] : memref<16384xf32, #tpu.memory_space<vmem>>[vector<16xi32>], vector<16xf32>,
        %parallel_loop3A_113 = arith.constant 0 : i32
        %parallel_loop3A_114 = arith.addi %parallel_loop3A_109, %parallel_loop3A_113 : i32
        %parallel_loop3A_115 = arith.index_cast %parallel_loop3A_114 : i32 to index
        %parallel_loop3A_116 = tpu.vector_load %arg11[%parallel_loop3A_115] {strides = array<i32>} : memref<16384xf32, #tpu.memory_space<vmem>>, vector<16xf32>,
        tpu.vector_store %arg11[%parallel_loop3A_115], %parallel_loop3A_112 {strides = array<i32>} : memref<16384xf32, #tpu.memory_space<vmem>>, vector<16xf32>,
        %parallel_loop3A_117 = vector.broadcast %parallel_loop3A_109 : i32 to vector<16xi32>
        %parallel_loop3A_118 = arith.addi %get3A_10, %parallel_loop3A_117 : vector<16xi32>
        %parallel_loop3A_119 = tpu.vector_load_idx %arg9[%parallel_loop3A_118] : memref<16384xf32, #tpu.memory_space<vmem>>[vector<16xi32>], vector<16xf32>,
        %parallel_loop3A_120 = arith.constant 16 : i32
        %parallel_loop3A_121 = arith.addi %parallel_loop3A_109, %parallel_loop3A_120 : i32
        %parallel_loop3A_122 = arith.index_cast %parallel_loop3A_121 : i32 to index
        %parallel_loop3A_123 = tpu.vector_load %arg11[%parallel_loop3A_122] {strides = array<i32>} : memref<16384xf32, #tpu.memory_space<vmem>>, vector<16xf32>,
        tpu.vector_store %arg11[%parallel_loop3A_122], %parallel_loop3A_119 {strides = array<i32>} : memref<16384xf32, #tpu.memory_space<vmem>>, vector<16xf32>,
        %parallel_loop3A_124 = vector.broadcast %parallel_loop3A_109 : i32 to vector<16xi32>
        %parallel_loop3A_125 = arith.addi %get3A_12, %parallel_loop3A_124 : vector<16xi32>
        %parallel_loop3A_126 = tpu.vector_load_idx %arg9[%parallel_loop3A_125] : memref<16384xf32, #tpu.memory_space<vmem>>[vector<16xi32>], vector<16xf32>,
        %parallel_loop3A_127 = arith.constant 32 : i32
        %parallel_loop3A_128 = arith.addi %parallel_loop3A_109, %parallel_loop3A_127 : i32
        %parallel_loop3A_129 = arith.index_cast %parallel_loop3A_128 : i32 to index
        %parallel_loop3A_130 = tpu.vector_load %arg11[%parallel_loop3A_129] {strides = array<i32>} : memref<16384xf32, #tpu.memory_space<vmem>>, vector<16xf32>,
        tpu.vector_store %arg11[%parallel_loop3A_129], %parallel_loop3A_126 {strides = array<i32>} : memref<16384xf32, #tpu.memory_space<vmem>>, vector<16xf32>,
        %parallel_loop3A_131 = vector.broadcast %parallel_loop3A_109 : i32 to vector<16xi32>
        %parallel_loop3A_132 = arith.addi %get3A_14, %parallel_loop3A_131 : vector<16xi32>
        %parallel_loop3A_133 = tpu.vector_load_idx %arg9[%parallel_loop3A_132] : memref<16384xf32, #tpu.memory_space<vmem>>[vector<16xi32>], vector<16xf32>,
        %parallel_loop3A_134 = arith.constant 48 : i32
        %parallel_loop3A_135 = arith.addi %parallel_loop3A_109, %parallel_loop3A_134 : i32
        %parallel_loop3A_136 = arith.index_cast %parallel_loop3A_135 : i32 to index
        %parallel_loop3A_137 = tpu.vector_load %arg11[%parallel_loop3A_136] {strides = array<i32>} : memref<16384xf32, #tpu.memory_space<vmem>>, vector<16xf32>,
        tpu.vector_store %arg11[%parallel_loop3A_136], %parallel_loop3A_133 {strides = array<i32>} : memref<16384xf32, #tpu.memory_space<vmem>>, vector<16xf32>,
        %parallel_loop3A_138 = vector.broadcast %parallel_loop3A_109 : i32 to vector<16xi32>
        %parallel_loop3A_139 = arith.addi %get3A_16, %parallel_loop3A_138 : vector<16xi32>
        %parallel_loop3A_140 = tpu.vector_load_idx %arg9[%parallel_loop3A_139] : memref<16384xf32, #tpu.memory_space<vmem>>[vector<16xi32>], vector<16xf32>,
        %parallel_loop3A_141 = arith.constant 64 : i32
        %parallel_loop3A_142 = arith.addi %parallel_loop3A_109, %parallel_loop3A_141 : i32
        %parallel_loop3A_143 = arith.index_cast %parallel_loop3A_142 : i32 to index
        %parallel_loop3A_144 = tpu.vector_load %arg11[%parallel_loop3A_143] {strides = array<i32>} : memref<16384xf32, #tpu.memory_space<vmem>>, vector<16xf32>,
        tpu.vector_store %arg11[%parallel_loop3A_143], %parallel_loop3A_140 {strides = array<i32>} : memref<16384xf32, #tpu.memory_space<vmem>>, vector<16xf32>,
        %parallel_loop3A_145 = vector.broadcast %parallel_loop3A_109 : i32 to vector<16xi32>
        %parallel_loop3A_146 = arith.addi %get3A_18, %parallel_loop3A_145 : vector<16xi32>
        %parallel_loop3A_147 = tpu.vector_load_idx %arg9[%parallel_loop3A_146] : memref<16384xf32, #tpu.memory_space<vmem>>[vector<16xi32>], vector<16xf32>,
        %parallel_loop3A_148 = arith.constant 80 : i32
        %parallel_loop3A_149 = arith.addi %parallel_loop3A_109, %parallel_loop3A_148 : i32
        %parallel_loop3A_150 = arith.index_cast %parallel_loop3A_149 : i32 to index
        %parallel_loop3A_151 = tpu.vector_load %arg11[%parallel_loop3A_150] {strides = array<i32>} : memref<16384xf32, #tpu.memory_space<vmem>>, vector<16xf32>,
        tpu.vector_store %arg11[%parallel_loop3A_150], %parallel_loop3A_147 {strides = array<i32>} : memref<16384xf32, #tpu.memory_space<vmem>>, vector<16xf32>,
        %parallel_loop3A_152 = vector.broadcast %parallel_loop3A_109 : i32 to vector<16xi32>
        %parallel_loop3A_153 = arith.addi %get3A_20, %parallel_loop3A_152 : vector<16xi32>
        %parallel_loop3A_154 = tpu.vector_load_idx %arg9[%parallel_loop3A_153] : memref<16384xf32, #tpu.memory_space<vmem>>[vector<16xi32>], vector<16xf32>,
        %parallel_loop3A_155 = arith.constant 96 : i32
        %parallel_loop3A_156 = arith.addi %parallel_loop3A_109, %parallel_loop3A_155 : i32
        %parallel_loop3A_157 = arith.index_cast %parallel_loop3A_156 : i32 to index
        %parallel_loop3A_158 = tpu.vector_load %arg11[%parallel_loop3A_157] {strides = array<i32>} : memref<16384xf32, #tpu.memory_space<vmem>>, vector<16xf32>,
        tpu.vector_store %arg11[%parallel_loop3A_157], %parallel_loop3A_154 {strides = array<i32>} : memref<16384xf32, #tpu.memory_space<vmem>>, vector<16xf32>,
        %parallel_loop3A_159 = vector.broadcast %parallel_loop3A_109 : i32 to vector<16xi32>
        %parallel_loop3A_160 = arith.addi %get3A_22, %parallel_loop3A_159 : vector<16xi32>
        %parallel_loop3A_161 = tpu.vector_load_idx %arg9[%parallel_loop3A_160] : memref<16384xf32, #tpu.memory_space<vmem>>[vector<16xi32>], vector<16xf32>,
        %parallel_loop3A_162 = arith.constant 112 : i32
        %parallel_loop3A_163 = arith.addi %parallel_loop3A_109, %parallel_loop3A_162 : i32
        %parallel_loop3A_164 = arith.index_cast %parallel_loop3A_163 : i32 to index
        %parallel_loop3A_165 = tpu.vector_load %arg11[%parallel_loop3A_164] {strides = array<i32>} : memref<16384xf32, #tpu.memory_space<vmem>>, vector<16xf32>,
        tpu.vector_store %arg11[%parallel_loop3A_164], %parallel_loop3A_161 {strides = array<i32>} : memref<16384xf32, #tpu.memory_space<vmem>>, vector<16xf32>,
      } {sc.loop_unroll_factor = 1 : i64, sc.parallel_access}
      %mul3A_100 = arith.constant 128 : i32
      %mul3A_101 = arith.muli %add3A_77, %mul3A_100 : i32
      %add3A_102 = arith.addi %mul3A_2, %mul3A_101 : i32
      %mul3A_103 = arith.constant 128 : i32
      %mul3A_104 = arith.muli %add3A_102, %mul3A_103 : i32
      %dma_start3A_105 = tpu.memref_slice %arg4[%mul3A_104] : memref<2097152xf32, #tpu.memory_space<hbm>> -> memref<16384xf32, #tpu.memory_space<hbm>>
      %dma_start3A_106 = tpu.memref_slice %arg4[%mul3A_104] : memref<2097152xf32, #tpu.memory_space<hbm>> -> memref<16384xf32, #tpu.memory_space<hbm>>
      tpu.enqueue_dma source(%arg11 : memref<16384xf32, #tpu.memory_space<vmem>>) target(%dma_start3A_106 : memref<16384xf32, #tpu.memory_space<hbm>>) target_semaphore(%arg15 : memref<!tpu.dma_semaphore, #tpu.memory_space<semaphore_mem>>)
    }
    %scan3A_31 = arith.constant 2 : i32
    %add3A_32 = arith.constant 256 : i32
    %add3A_33 = arith.addi %mul3A_2, %add3A_32 : i32
    %mul3A_34 = arith.constant 128 : i32
    %mul3A_35 = arith.muli %add3A_33, %mul3A_34 : i32
    %dma_wait3A = tpu.memref_slice %arg4[%mul3A_35] : memref<2097152xf32, #tpu.memory_space<hbm>> -> memref<16384xf32, #tpu.memory_space<hbm>>
    %dma_wait3A_36 = tpu.memref_slice %arg4[%mul3A_35] : memref<2097152xf32, #tpu.memory_space<hbm>> -> memref<16384xf32, #tpu.memory_space<hbm>>
    tpu.wait_dma2 semaphore(%arg14 : memref<!tpu.dma_semaphore, #tpu.memory_space<semaphore_mem>>) src(%arg10 : memref<16384xf32, #tpu.memory_space<vmem>>) dst(%dma_wait3A_36 : memref<16384xf32, #tpu.memory_space<hbm>>)
    %add3A_37 = arith.constant 384 : i32
    %add3A_38 = arith.addi %mul3A_2, %add3A_37 : i32
    %mul3A_39 = arith.constant 128 : i32
    %mul3A_40 = arith.muli %add3A_38, %mul3A_39 : i32
    %dma_wait3A_41 = tpu.memref_slice %arg4[%mul3A_40] : memref<2097152xf32, #tpu.memory_space<hbm>> -> memref<16384xf32, #tpu.memory_space<hbm>>
    %dma_wait3A_42 = tpu.memref_slice %arg4[%mul3A_40] : memref<2097152xf32, #tpu.memory_space<hbm>> -> memref<16384xf32, #tpu.memory_space<hbm>>
    tpu.wait_dma2 semaphore(%arg15 : memref<!tpu.dma_semaphore, #tpu.memory_space<semaphore_mem>>) src(%arg11 : memref<16384xf32, #tpu.memory_space<vmem>>) dst(%dma_wait3A_42 : memref<16384xf32, #tpu.memory_space<hbm>>)
    %dma_wait3A_43 = tpu.memref_slice %arg5[%mul3A_2] : memref<16384xf32, #tpu.memory_space<hbm>> -> memref<512xf32, #tpu.memory_space<hbm>>
    %dma_wait3A_44 = tpu.memref_slice %arg5[%mul3A_2] : memref<16384xf32, #tpu.memory_space<hbm>> -> memref<512xf32, #tpu.memory_space<hbm>>
    tpu.wait_dma2 semaphore(%arg16 : memref<!tpu.dma_semaphore, #tpu.memory_space<semaphore_mem>>) src(%arg7 : memref<512xf32, #tpu.memory_space<vmem>>) dst(%dma_wait3A_44 : memref<512xf32, #tpu.memory_space<hbm>>)
    return
  }
}

</mosaic_0001>

<sc_bundles>
// kernel: kernel.3.cloned.1.call-start
scs
__scs_entry_jumppad:
0x0: {  	(pc) =	sbr.rel $0x88, $3  }
0x1: {  	(tag) =	ssettag $0x0;
	lr =	simm.s32 $0x1  }
0x2: {  	[smem:$0x3F9F] =	sst lr;
	_ =	strace $0xD0000000  }
0x3: {  	_ = 	snop  }
0x4: {  	_ = 	snop  }
0x5: {  	_ = 	snop  }
0x6: {  	_ = 	snop  }
0x7: {  	_ = 	snop  }
__scs_overlays_trampoline_lowered:
0x8: {  	[smem:$0x3FAE] =	sst s0  }
0x9: {  	[smem:$0x3FAF] =	sst s1  }
0xa: {  	[smem:$0x3FB0] =	sst s2  }
0xb: {  	[smem:$0x3FB1] =	sst s3  }
0xc: {  	[smem:$0x3FB2] =	sst s4  }
0xd: {  	[smem:$0x3FB3] =	sst s5  }
0xe: {  	[smem:$0x3FB4] =	sst s6  }
0xf: {  	[smem:$0x3FB5] =	sst s7  }
0x10: {  	[smem:$0x3FB6] =	sst s8  }
0x11: {  	[smem:$0x3FB7] =	sst s9;
	s0 =	simm.s32 @!p0 $0x0  }
0x12: {  	s1 =	sld [smem:$0x3F9D];
	s0 =	simm.s32 @p0 $0x1  }
0x13: {  	[smem:$0x3FB8] =	sst s0;
	s0 =	simm.s32 @!p1 $0x0  }
0x14: {  	s2 =	sld [smem:$0x3F9C];
	s0 =	simm.s32 @p1 $0x1  }
0x15: {  	[smem:$0x3FB9] =	sst s0;
	s0 =	simm.s32 @!p2 $0x0  }
0x16: {  	s3 =	sld [smem:$0x3FDB];
	s0 =	simm.s32 @p2 $0x1  }
0x17: {  	s4 =	simm.s32 $0x1BF5;
	[smem:$0x3FBB] =	sst s0  }
0x18: {  	s0 =	sld [smem:$0x3F9E];
	_ =	swait.ge [sflag:s4], $0x0  }
0x19: {  	s7 =	sld [smem:$0x3F9F]  }
0x1a: {  	s8 =	sadd.s32 $0xFFFFE003, lr  }
0x1b: {  	s9 =	sadd.s32 $0xFFFFFEF7, lr;
	s5 =	simm.s32 $0xFFFFFFFF;
	p2 =	slt.u32 s8, $0xFFFFF086  }
0x1c: {  	p1 =	slt.u32 s9, $0xF7A;
	s5 =	simm.s32 @!p2 $0x0  }
0x1d: {  	s5 =	simm.s32 @p1 $0x1;
	p0 =	seq.s32 s7, s2  }
0x1e: {  	s7 =	smul.u32 @!p0 $0xF7A, s2;
	p2 =	seq.s32 @!p0 s5, $0x0  }
0x1f: {  	s9 =	smul.u32 $0xF7A, s1;
	s8 =	simm.s32 @!p0 $0x1BF5;
	p2 =	por !p2, p0  }
0x20: {  	[sflag:s8] =	ssyncset.s32 @!p0 $0xFFFFF086;
	s6 =	sadd.s32 @!p0 s3, s7;
	s7 =	simm.s32 @!p0 $0x108  }
0x21: {  	s3 =	sadd.s32 s3, s9;
	s6 =	sadd.s32 @!p0 $0x88, s6;
	s7 =	simm.s32 @p2 $0x1082  }
0x22: {  	[simem:s7], [sflag:s8] =	dma.local @!p0 [hbm:s6], $0xF7A  }
0x23: {  	s9 =	sor.u32 $0xD0000000, s2;
	s6 =	simm.s32 $0x108;
	_ =	swait.ge @!p0 [sflag:s8], $0x0  }
0x24: {  	s3 =	sadd.s32 $0x88, s3;
	s6 =	simm.s32 @!p1 $0x1082;
	[sflag:s4] =	ssyncset.s32 $0xFFFFF086  }
0x25: {  	[simem:s6], [sflag:s4] =	dma.local [hbm:s3], $0xF7A  }
0x26: {  	[smem:$0x3F9F] =	sst s1;
	(tag) =	ssettag s2;
	_ =	strace s9  }
0x27: {  	s1 =	sld [smem:$0x3FAF]  }
0x28: {  	s2 =	sld [smem:$0x3FB0]  }
0x29: {  	s4 =	sld [smem:$0x3FB2]  }
0x2a: {  	p0 =	seq.s32 s5, $0x0;
	s5 =	sld [smem:$0x3FB3]  }
0x2b: {  	s6 =	sld [smem:$0x3FB4]  }
0x2c: {  	s7 =	sld [smem:$0x3FB5]  }
0x2d: {  	s3 =	simm.s32 $0x108;
	s8 =	sld [smem:$0x3FB6]  }
0x2e: {  	s3 =	simm.s32 @!p0 $0x1082;
	s9 =	sld [smem:$0x3FB7]  }
0x2f: {  	lr =	sadd.s32 s0, s3;
	s0 =	sld [smem:$0x3FAE]  }
0x30: {  	s3 =	sld [smem:$0x3FB1]  }
0x31: {  	[smem:$0x3FBA] =	sst s10  }
0x32: {  	s10 =	sld [smem:$0x3FB8];
	_ =	sdelay $0x3  }
0x33: {  	p0 =	seq.s32 s10, $0x1;
	s10 =	sld [smem:$0x3FBA];
	_ =	sdelay $0x3  }
0x34: {  	[smem:$0x3FBA] =	sst s10  }
0x35: {  	s10 =	sld [smem:$0x3FB9];
	_ =	sdelay $0x3  }
0x36: {  	p1 =	seq.s32 s10, $0x1;
	s10 =	sld [smem:$0x3FBA];
	_ =	sdelay $0x3  }
0x37: {  	[smem:$0x3FBA] =	sst s10  }
0x38: {  	s10 =	sld [smem:$0x3FBB]  }
0x39: {  	_ = 	snop;
	(pc) =	sbr.ind lr, $3  }
0x3a: {  	_ = 	snop  }
0x3b: {  	_ = 	snop  }
0x3c: {  	p2 =	seq.s32 s10, $0x1;
	s10 =	sld [smem:$0x3FBA]  }
0x3d: {  	_ =	shalt  }
0x3e: {  	_ =	shalt  }
0x3f: {  	_ =	shalt  }
0x40: {  	_ =	shalt  }
0x41: {  	_ =	shalt  }
0x42: {  	_ =	shalt  }
0x43: {  	_ =	shalt  }
0x44: {  	_ =	shalt  }
0x45: {  	_ =	shalt  }
0x46: {  	_ =	shalt  }
0x47: {  	_ =	shalt  }
0x48: {  	_ =	shalt  }
0x49: {  	_ =	shalt  }
0x4a: {  	_ =	shalt  }
0x4b: {  	_ =	shalt  }
0x4c: {  	_ =	shalt  }
0x4d: {  	_ =	shalt  }
0x4e: {  	_ =	shalt  }
0x4f: {  	_ =	shalt  }
0x50: {  	_ =	shalt  }
0x51: {  	_ =	shalt  }
0x52: {  	_ =	shalt  }
0x53: {  	_ =	shalt  }
0x54: {  	_ =	shalt  }
0x55: {  	_ =	shalt  }
0x56: {  	_ =	shalt  }
0x57: {  	_ =	shalt  }
0x58: {  	_ =	shalt  }
0x59: {  	_ =	shalt  }
0x5a: {  	_ =	shalt  }
0x5b: {  	_ =	shalt  }
0x5c: {  	_ =	shalt  }
0x5d: {  	_ =	shalt  }
0x5e: {  	_ =	shalt  }
0x5f: {  	_ =	shalt  }
0x60: {  	_ =	shalt  }
0x61: {  	_ =	shalt  }
0x62: {  	_ =	shalt  }
0x63: {  	_ =	shalt  }
0x64: {  	_ =	shalt  }
0x65: {  	_ =	shalt  }
0x66: {  	_ =	shalt  }
0x67: {  	_ =	shalt  }
0x68: {  	_ =	shalt  }
0x69: {  	_ =	shalt  }
0x6a: {  	_ =	shalt  }
0x6b: {  	_ =	shalt  }
0x6c: {  	_ =	shalt  }
0x6d: {  	_ =	shalt  }
0x6e: {  	_ =	shalt  }
0x6f: {  	_ =	shalt  }
0x70: {  	_ =	shalt  }
0x71: {  	_ =	shalt  }
0x72: {  	_ =	shalt  }
0x73: {  	_ =	shalt  }
0x74: {  	_ =	shalt  }
0x75: {  	_ =	shalt  }
0x76: {  	_ =	shalt  }
0x77: {  	_ =	shalt  }
0x78: {  	_ =	shalt  }
0x79: {  	_ =	shalt  }
0x7a: {  	_ =	shalt  }
0x7b: {  	_ =	shalt  }
0x7c: {  	_ =	shalt  }
0x7d: {  	_ =	shalt  }
0x7e: {  	_ =	shalt  }
0x7f: {  	_ =	shalt  }
0x80: {  	_ =	shalt  }
0x81: {  	_ =	shalt  }
0x82: {  	_ =	shalt  }
0x83: {  	_ =	shalt  }
0x84: {  	_ =	shalt  }
0x85: {  	_ =	shalt  }
0x86: {  	_ =	shalt  }
0x87: {  	_ =	shalt  }
.Lfunc_end0:
.L_simem_size_0:
called_computation_lowered:
.L_overlay_start_0:
0x88: {  	s2 =	sld [smem:$0x3FD9]  }
0x89: {  	s3 =	sld [smem:$0x3FFE];
	_ =	sdelay $0x1  }
0x8a: {  	s1 =	srdreg.scid  }
0x8b: {  	s0 =	sand.u32 $0x1, s1  }
0x8c: {  	s15 =	sshll.u32 s0, $0xA;
	s2 =	sadd.s32 s3, s2  }
0x8d: {  	s2 =	sadd.s32 s2, s15  }
0x8e: {  	[smem:$0x3FC6] =	sst s2  }
0x8f: {  	_ = 	snop  }
0x90: {  	s2 =	sld [smem:$0x3FD0];
	_ =	sdelay $0x1  }
0x91: {  	s16 =	sld [smem:$0x3FC9]  }
0x92: {  	s5 =	simm.s32 $0xA;
	s6 =	simm.s32 $0x10;
	s4 =	sld [smem:$0x3FC8]  }
0x93: {  	[smem:s6], [sflag:s5] =	dma.local [hbm:s2], $0x1  }
0x94: {  	_ =	swait.eq [sflag:s5], $0x1  }
0x95: {  	[sflag:s5] =	ssyncset.done $0x0  }
0x96: {  	s17 =	sld [smem:$0x10];
	[sflag:s5] =	ssyncadd.s32 $0xFFFFFFFF  }
0x97: {  	s18 =	sld [smem:$0x11];
	(tm) =	ssettm $0x1  }
0x98: {  	s19 =	sld [smem:$0x3FFB];
	_ =	sdelay $0x3  }
0x99: {  	_ =	strace s19  }
0x9a: {  	s6 =	sld [smem:$0x3FFC];
	_ =	sdelay $0x3  }
0x9b: {  	_ =	strace s6  }
0x9c: {  	s6 =	sld [smem:$0x3FFD];
	_ =	sdelay $0x3  }
0x9d: {  	_ =	strace s6  }
0x9e: {  	_ =	strace $0x8FFFFFFF  }
0x9f: {  	s20 =	sld [smem:$0x3FDB];
	_ =	sdelay $0x1  }
0xa0: {  	s7 =	simm.s32 $_scs_section_size  }
0xa1: {  	s8 =	simm.s32 $_size__tile_overlayer_lowered;
	s9 =	simm.s32 $_tile_overlayer_lowered  }
0xa2: {  	s23 =	simm.s32 $0x1BFF;
	s22 =	sshll.u32 s9, $0x1;
	s6 =	sadd.s32 s7, s20  }
0xa3: {  	s10 =	simm.s32 $0x0;
	s21 =	sshll.u32 s8, $0x1;
	s8 =	sadd.s32 s22, s6  }
0xa4: {  	[timem:s10], [sflag:s23] =	dma.local [hbm:s8], s21  }
0xa5: {  	_ =	swait.ge [sflag:s23], s21  }
0xa6: {  	s7 =	ssub.s32 $0x0, s21;
	[sflag:s23] =	ssyncset.done $0x0  }
0xa7: {  	[sflag:s23] =	ssyncadd.s32 s7;
	_ =	sdelay $0x1  }
0xa8: {  	s24 =	simm.s32 $0x1B8B  }
0xa9: {  	_ =	swait.ge [sflag:s24], $0x1  }
0xaa: {  	[sflag:s24] =	ssyncset.done $0x0  }
0xab: {  	s25 =	simm.s32 $0x1B8E;
	[sflag:s24] =	ssyncadd.s32 $0xFFFFFFFF  }
0xac: {  	s26 =	simm.s32 $execute0_lowered;
	[smem:$0x3FD2] =	sst s25  }
0xad: {  	s7 =	sshll.u32 s26, $0x1;
	_ =	strace $0x80000046;
	[dreg:$0x1] =	wrdreg $0xFFFFFFFF  }
0xae: {  	s28 =	simm.s32 $_size_execute0_lowered;
	s6 =	sadd.s32 s6, s7;
	[dreg:$0x0] =	wrdreg $0x0  }
0xaf: {  	s7 =	sshll.u32 s28, $0x1;
	[dreg:$0x2] =	wrdreg s6  }
0xb0: {  	[dreg:$0x3] =	wrdreg s7  }
0xb1: {  	[dreg:$0x4] =	wrdreg $0xC0  }
0xb2: {  	_ =	task [dreg:s10], $0x5FFFF  }
0xb3: {  	[dreg:$0x1] =	wrdreg $0xFFFFFFFF  }
0xb4: {  	[dreg:$0x0] =	wrdreg $0x60  }
0xb5: {  	[dreg:$0x2] =	wrdreg s16  }
0xb6: {  	[dreg:$0x3] =	wrdreg s4  }
0xb7: {  	[dreg:$0x4] =	wrdreg s17  }
0xb8: {  	[dreg:$0x5] =	wrdreg s18  }
0xb9: {  	[dreg:$0x6] =	wrdreg $0x9  }
0xba: {  	_ =	task.clear_ibuf [dreg:s10], $0x7FFFF;
	_ =	strace $0x90000046  }
0xbb: {  	s29 =	simm.s32 $0x9;
	_ =	strace $0x80000048  }
0xbc: {  	_ =	swait.ge [sflag:s29], $0x1  }
0xbd: {  	[sflag:s29] =	ssyncadd.s32 $0xFFFFFFFF  }
0xbe: {  	_ =	strace $0x90000048  }
0xbf: {  	_ =	sfence  }
0xc0: {  	s30 =	sld [smem:$0x0];
	_ =	sdelay $0x2  }
0xc1: {  	s31 =	sshll.u32 s1, $0xD;
	s1 =	sshrl.u32 s1, $0x2  }
0xc2: {  	s3 =	sand.u32 $0x4000, s31;
	s1 =	sadd.s32 s1, s30  }
0xc3: {  	s0 =	sor.u32 s3, s0;
	s1 =	sshll.u32 s1, $0x11  }
0xc4: {  	s0 =	sor.u32 s1, s0  }
0xc5: {  	s0 =	sadd.s32 $0x8F2B, s0  }
0xc6: {  	[sflag:s0] =	ssyncadd.remote.s32 $0x1  }
0xc7: {  	_ =	sfence.sel $0xFFFF  }
0xc8: {  	[dreg:$0x0] =	wrdreg $0xFFFFFFFF;
	(pc) =	sbr.abs _section_cstart, $3  }
0xc9: {  	[dreg:$0x1] =	wrdreg $0xFFFFFFFF  }
0xca: {  	_ =	task.clear_ibuf [dreg:s10], $0x2FFFF;
	_ =	strace $0x9FFFFFFF  }
0xcb: {  	(tm) =	ssettm $0x7FFFFFFF  }
tec
execute0_lowered:
.L_overlay_start_1:
0x0: {  	(tag) =	ssettag $0x1  }
0x1: {  	s1 =	rddreg [dreg:$0x0]  }
0x2: {  	s4 =	rddreg [dreg:$0x2]  }
0x3: {  	s0 =	rddreg [dreg:$0x3]  }
0x4: {  	s2 =	srdreg.scid;
	s6 =	stileid.u32;
	s5 =	simm.s32 $0x0  }
0x5: {  	s12 =	simm.s32 $0x280;
	s15 =	simm.s32 $0x4280;
	s16 =	simm.s32 $0x1  }
0x6: {  	s17 =	simm.s32 $0x8280;
	s18 =	simm.s32 $0xC280;
	s22 =	simm.s32 $0x0  }
0x7: {  	s23 =	simm.s32 $0x0;
	s2 =	sand.u32 $0x1, s2;
	s6 =	sshll.u32 s6, $0x1  }
0x8: {  	[smem:$0x7FF] =	sst s5;
	s3 =	ssub.s32 $0x2, s2;
	s2 =	sor.u32 s2, s6  }
0x9: {  	_ =	strace $0x80000047;
	s7 =	sshrl.u32 s3, $0x1;
	s30 =	sshll.u32 s2, $0xD  }
0xa: {  	s6 =	sshll.u32 s2, $0x9;
	s2 =	sshll.u32 s2, $0x6;
	s8 =	sadd.s32 s1, s30  }
0xb: {  	s3 =	ssub.s32 s3, s7;
	s0 =	sadd.s32 s0, s2;
	[dreg:$0x5] =	wrdreg s8  }
0xc: {  	s9 =	sadd.s32 s4, s30;
	[dreg:$0x6] =	wrdreg s0;
	s31 =	smax.u32 s3, $0x1  }
0xd: {  	v0 =	vimm.f32 $0.0e+00;
	s10 =	sor.u32 $0x100, s6;
	s3 =	simm.s32 $0x80;
	[dreg:$0x7] =	wrdreg s31  }
.LBB2_1:
0xe: {  	s0 =	rddreg [dreg:$0x5]  }
0xf: {  	[tilespmem:s12], [sflag:$0x1] =	stream.linear.gather [hbm4b:s0+s5], $0x4000, $0x38;
	[tilespmem:$0x10280] =	vst v63  }
0x10: {  	s30 =	rddreg [dreg:$0x1];
	s31 =	simm.s32 $0x6  }
0x11: {  	[tilespmem:s5], [sflag:$0x6] =	stream.linear.gather [hbm4b:s30+s5], $0x80, $0x38;
	[tilespmem:$0x10280] =	vst v63  }
0x12: {  	_ =	swait.ge [sflag:s31], $0x80  }
0x13: {  	[sflag:s31] =	ssyncset.done $0x0  }
0x14: {  	[sflag:s31] =	ssyncadd.s32 $0xFFFFFF80  }
0x15: {  	v1 =	vld [tilespmem:$0x0]  }
0x16: {  	v2 =	vld [tilespmem:$0x10]  }
0x17: {  	v3 =	vld [tilespmem:$0x20]  }
0x18: {  	v8 =	vld [tilespmem:$0x70]  }
0x19: {  	v7 =	vld [tilespmem:$0x60]  }
0x1a: {  	v6 =	vld [tilespmem:$0x50]  }
0x1b: {  	v5 =	vld [tilespmem:$0x40]  }
0x1c: {  	s2 =	simm.s32 $0x80;
	s0 =	simm.s32 $0x0;
	v4 =	vld [tilespmem:$0x30];
	[tilespmem:s3+$0x0] =	vst v0  }
.LBB2_2:
0x1d: {  	s0 =	sadd.s32 $0x10, s0  }
0x1e: {  	p0 =	slt.u32 s0, $0x1F0  }
.Ltmp0:
0x1f: {  	_ = 	snop;
	(pc) =	sbr.rel @p0 .LBB2_2-.Ltmp0, $3  }
0x20: {  	_ =	sdelay $0x1  }
0x21: {  	s2 =	sadd.s32 $0x10, s2  }
0x22: {  	[tilespmem:s2+$0x0] =	vst v0  }
0x23: {  	s0 =	rddreg [dreg:$0x6]  }
0x24: {  	p2 =	por $0x1, $0x1;
	p1 =	por $0x0, $0x0;
	s13 =	simm.s32 $0x0  }
0x25: {  	[hbm4b:s0+s23] =	stream.linear.scatter [tilespmem:s3], [sflag:$0x5], $0x200, $0x38;
	[tilespmem:$0x10280] =	vst v63  }
.LBB2_4:
0x26: {  	s25 =	sshll.u32 s13, $0x8  }
0x27: {  	s0 =	sor.u32 s6, s25  }
0x28: {  	s0 =	sshll.u32 s0, $0x4  }
0x29: {  	s0 =	sand.u32 $0x1FFFF000, s0  }
0x2a: {  	s24 =	sor.u32 $0x800, s0  }
0x2b: {  	s0 =	sadd.s32 s1, s24  }
0x2c: {  	[tilespmem:s15], [sflag:$0x2] =	stream.linear.gather [hbm4b:s0+s5], $0x4000, $0x38;
	[tilespmem:$0x10280] =	vst v63  }
0x2d: {  	_ =	swait.ge [sflag:s16], $0x4000  }
0x2e: {  	v9 =	vadd.s32 s23, v1;
	[sflag:s16] =	ssyncset.done $0x0  }
0x2f: {  	s0 =	simm.s32 @p1 $0x3;
	[sflag:s16] =	ssyncadd.s32 $0xFFFFC000  }
0x30: {  	_ =	swait.ge @p1 [sflag:s0], $0x4000  }
0x31: {  	[sflag:s0] =	ssyncset.done @p1 $0x0  }
0x32: {  	[sflag:s0] =	ssyncadd.s32 @p1 $0xFFFFC000  }
0x33: {  	v9 =	vld.idx.msk [tilespmem:v9+s12+$0x0], $0xffff  }
0x34: {  	s2 =	simm.s32 $0x80;
	v10 =	vadd.s32 s23, v2  }
0x35: {  	v11 =	vadd.s32 s2, v1;
	_ =	sdelay $0x1  }
0x36: {  	s14 =	simm.s32 $0x82C0  }
0x37: {  	[tilespmem:s14+$0xFFFFFFC0] =	vst v9  }
0x38: {  	v9 =	vld.idx.msk [tilespmem:v10+s12+$0x0], $0xffff  }
0x39: {  	v10 =	vld.idx.msk [tilespmem:v11+s12+$0x0], $0xffff;
	v11 =	vadd.s32 s23, v3  }
0x3a: {  	s28 =	simm.s32 $0x100;
	v12 =	vadd.s32 s2, v2  }
0x3b: {  	v13 =	vadd.s32 s28, v1;
	_ =	sdelay $0x1  }
0x3c: {  	s30 =	simm.s32 $0x8340;
	[tilespmem:s14+$0xFFFFFFD0] =	vst v9  }
0x3d: {  	[tilespmem:s30+$0xFFFFFFC0] =	vst v10;
	v9 =	vld.idx.msk [tilespmem:v11+s12+$0x0], $0xffff  }
0x3e: {  	v10 =	vld.idx.msk [tilespmem:v12+s12+$0x0], $0xffff;
	v11 =	vadd.s32 s23, v4  }
0x3f: {  	v12 =	vld.idx.msk [tilespmem:v13+s12+$0x0], $0xffff;
	v13 =	vadd.s32 s2, v3  }
0x40: {  	s31 =	simm.s32 $0x180;
	v14 =	vadd.s32 s28, v2  }
0x41: {  	v15 =	vadd.s32 s31, v1  }
0x42: {  	[tilespmem:s14+$0xFFFFFFE0] =	vst v9  }
0x43: {  	s26 =	simm.s32 $0x83C0;
	[tilespmem:s30+$0xFFFFFFD0] =	vst v10;
	v9 =	vld.idx.msk [tilespmem:v11+s12+$0x0], $0xffff  }
0x44: {  	[tilespmem:s26+$0xFFFFFFC0] =	vst v12;
	v10 =	vld.idx.msk [tilespmem:v13+s12+$0x0], $0xffff;
	v11 =	vadd.s32 s23, v5  }
0x45: {  	v12 =	vld.idx.msk [tilespmem:v14+s12+$0x0], $0xffff;
	v13 =	vadd.s32 s2, v4  }
0x46: {  	v14 =	vld.idx.msk [tilespmem:v15+s12+$0x0], $0xffff;
	v15 =	vadd.s32 s28, v3  }
0x47: {  	v16 =	vadd.s32 s31, v2;
	s0 =	simm.s32 $0x200  }
0x48: {  	v17 =	vadd.s32 s0, v1;
	[tilespmem:s14+$0xFFFFFFF0] =	vst v9  }
0x49: {  	[tilespmem:s30+$0xFFFFFFE0] =	vst v10;
	v9 =	vld.idx.msk [tilespmem:v11+s12+$0x0], $0xffff  }
0x4a: {  	s29 =	simm.s32 $0x8440;
	[tilespmem:s26+$0xFFFFFFD0] =	vst v12;
	v10 =	vld.idx.msk [tilespmem:v13+s12+$0x0], $0xffff;
	v11 =	vadd.s32 s23, v6  }
0x4b: {  	[tilespmem:s29+$0xFFFFFFC0] =	vst v14;
	v12 =	vld.idx.msk [tilespmem:v15+s12+$0x0], $0xffff;
	v13 =	vadd.s32 s2, v5  }
0x4c: {  	v14 =	vld.idx.msk [tilespmem:v16+s12+$0x0], $0xffff;
	v15 =	vadd.s32 s28, v4  }
0x4d: {  	v16 =	vld.idx.msk [tilespmem:v17+s12+$0x0], $0xffff;
	v17 =	vadd.s32 s31, v3  }
0x4e: {  	[tilespmem:s14+$0x0] =	vst v9  }
0x4f: {  	s7 =	simm.s32 $0x280;
	v18 =	vadd.s32 s0, v2;
	[tilespmem:s30+$0xFFFFFFF0] =	vst v10;
	v10 =	vld.idx.msk [tilespmem:v11+s12+$0x0], $0xffff  }
0x50: {  	v9 =	vadd.s32 s7, v1;
	[tilespmem:s26+$0xFFFFFFE0] =	vst v12;
	v11 =	vld.idx.msk [tilespmem:v13+s12+$0x0], $0xffff  }
0x51: {  	v12 =	vadd.s32 s23, v7;
	[tilespmem:s29+$0xFFFFFFD0] =	vst v14;
	v13 =	vld.idx.msk [tilespmem:v15+s12+$0x0], $0xffff  }
0x52: {  	s3 =	simm.s32 $0x84C0;
	v14 =	vadd.s32 s2, v6;
	v15 =	vld.idx.msk [tilespmem:v17+s12+$0x0], $0xffff  }
0x53: {  	[tilespmem:s3+$0xFFFFFFC0] =	vst v16;
	v16 =	vadd.s32 s28, v5  }
0x54: {  	v17 =	vld.idx.msk [tilespmem:v18+s12+$0x0], $0xffff;
	v18 =	vadd.s32 s31, v4;
	[tilespmem:s14+$0x10] =	vst v10  }
0x55: {  	v19 =	vadd.s32 s0, v3;
	v9 =	vld.idx.msk [tilespmem:v9+s12+$0x0], $0xffff;
	[tilespmem:s30+$0x0] =	vst v11  }
0x56: {  	v10 =	vadd.s32 s7, v2;
	[tilespmem:s26+$0xFFFFFFF0] =	vst v13;
	v11 =	vld.idx.msk [tilespmem:v12+s12+$0x0], $0xffff  }
0x57: {  	s11 =	simm.s32 $0x300;
	[tilespmem:s29+$0xFFFFFFE0] =	vst v15;
	v15 =	vadd.s32 s23, v8;
	v20 =	vld.idx.msk [tilespmem:v14+s12+$0x0], $0xffff  }
0x58: {  	v12 =	vadd.s32 s11, v1;
	v21 =	vld.idx.msk [tilespmem:v16+s12+$0x0], $0xffff  }
0x59: {  	s8 =	simm.s32 $0x8540;
	[tilespmem:s3+$0xFFFFFFD0] =	vst v17;
	v22 =	vld.idx.msk [tilespmem:v18+s12+$0x0], $0xffff;
	v18 =	vadd.s32 s2, v7  }
0x5a: {  	v13 =	vld.idx.msk [tilespmem:v19+s12+$0x0], $0xffff;
	[tilespmem:s8+$0xFFFFFFC0] =	vst v9;
	v9 =	vadd.s32 s28, v6  }
0x5b: {  	v14 =	vld.idx.msk [tilespmem:v10+s12+$0x0], $0xffff;
	v10 =	vadd.s32 s31, v5;
	[tilespmem:s14+$0x20] =	vst v11  }
0x5c: {  	v11 =	vld.idx.msk [tilespmem:v15+s12+$0x0], $0xffff;
	v15 =	vadd.s32 s0, v4  }
0x5d: {  	v17 =	vadd.s32 s7, v3;
	v16 =	vld.idx.msk [tilespmem:v12+s12+$0x0], $0xffff;
	[tilespmem:s30+$0x10] =	vst v20  }
0x5e: {  	s19 =	simm.s32 $0x380;
	p0 =	por p2, p2;
	[tilespmem:s26+$0x0] =	vst v21;
	v12 =	vld.idx.msk [tilespmem:v18+s12+$0x0], $0xffff;
	v18 =	vadd.s32 s11, v2  }
0x5f: {  	s13 =	sshll.u32 s13, $0xC;
	s21 =	simm.s32 $0x400;
	s20 =	simm.s32 $0x8540;
	v19 =	vadd.s32 s19, v1;
	[tilespmem:s29+$0xFFFFFFF0] =	vst v22;
	v9 =	vld.idx.msk [tilespmem:v9+s12+$0x0], $0xffff  }
.LBB2_5:
0x60: {  	p2 =	sne.s32 s21, $0x3F80;
	[tilespmem:s3+$0xFFFFFFE0] =	vst v13;
	v20 =	vld.idx.msk [tilespmem:v10+s12+$0x0], $0xffff;
	v21 =	vadd.s32 s2, v8;
	s2 =	smov.u32 s28;
	s28 =	smov.u32 s31  }
0x61: {  	s20 =	sadd.s32 $0x80, s20;
	s31 =	smov.u32 s0;
	s0 =	smov.u32 s7;
	[tilespmem:s8+$0xFFFFFFD0] =	vst v14;
	v22 =	vld.idx.msk [tilespmem:v15+s12+$0x0], $0xffff;
	v23 =	vadd.s32 s2, v7  }
0x62: {  	s7 =	smov.u32 s11;
	s11 =	smov.u32 s19;
	s19 =	smov.u32 s21;
	v24 =	vadd.s32 s28, v6;
	[tilespmem:s20+$0xFFFFFFC0] =	vst v16;
	v13 =	vld.idx.msk [tilespmem:v17+s12+$0x0], $0xffff  }
.Ltmp1:
0x63: {  	v10 =	vadd.s32 s31, v5;
	v14 =	vld.idx.msk [tilespmem:v18+s12+$0x0], $0xffff;
	[tilespmem:s14+$0x30] =	vst v11;
	s14 =	smov.u32 s30;
	s30 =	smov.u32 s26;
	(pc) =	sbr.rel @p2 .LBB2_5-.Ltmp1, $4  }
0x64: {  	v15 =	vadd.s32 s0, v4;
	s26 =	smov.u32 s29;
	s29 =	smov.u32 s3;
	s3 =	smov.u32 s8;
	v16 =	vld.idx.msk [tilespmem:v19+s12+$0x0], $0xffff;
	[tilespmem:s14+$0x20] =	vst v12  }
0x65: {  	v17 =	vadd.s32 s7, v3;
	s8 =	smov.u32 s20;
	[tilespmem:s30+$0x10] =	vst v9;
	v11 =	vld.idx.msk [tilespmem:v21+s12+$0x0], $0xffff  }
0x66: {  	v18 =	vadd.s32 s11, v2;
	[tilespmem:s26+$0x0] =	vst v20;
	v12 =	vld.idx.msk [tilespmem:v23+s12+$0x0], $0xffff  }
0x67: {  	s21 =	sadd.s32 $0x80, s21;
	v19 =	vadd.s32 s19, v1;
	[tilespmem:s29+$0xFFFFFFF0] =	vst v22;
	v9 =	vld.idx.msk [tilespmem:v24+s12+$0x0], $0xffff  }
0x68: {  	_ =	sdelay $0x3  }
0x69: {  	v19 =	vld.idx.msk [tilespmem:v19+s12+$0x0], $0xffff  }
0x6a: {  	v20 =	vadd.s32 s19, v2;
	_ =	sdelay $0x1  }
0x6b: {  	s20 =	sadd.s32 $0x80, s20  }
0x6c: {  	[tilespmem:s20+$0xFFFFFFC0] =	vst v16;
	s21 =	sadd.s32 $0x80, s20  }
0x6d: {  	v16 =	vld.idx.msk [tilespmem:v18+s12+$0x0], $0xffff;
	[tilespmem:s21+$0xFFFFFFC0] =	vst v19  }
0x6e: {  	v18 =	vadd.s32 s11, v3;
	v19 =	vld.idx.msk [tilespmem:v20+s12+$0x0], $0xffff  }
0x6f: {  	v20 =	vadd.s32 s19, v3;
	_ =	sdelay $0x1  }
0x70: {  	[tilespmem:s8+$0xFFFFFFD0] =	vst v14  }
0x71: {  	v14 =	vld.idx.msk [tilespmem:v17+s12+$0x0], $0xffff;
	[tilespmem:s20+$0xFFFFFFD0] =	vst v16  }
0x72: {  	v16 =	vadd.s32 s7, v4;
	v17 =	vld.idx.msk [tilespmem:v18+s12+$0x0], $0xffff;
	[tilespmem:s21+$0xFFFFFFD0] =	vst v19  }
0x73: {  	v18 =	vadd.s32 s11, v4;
	v19 =	vld.idx.msk [tilespmem:v20+s12+$0x0], $0xffff  }
0x74: {  	[tilespmem:s3+$0xFFFFFFE0] =	vst v13;
	v20 =	vadd.s32 s19, v4  }
0x75: {  	v13 =	vld.idx.msk [tilespmem:v15+s12+$0x0], $0xffff;
	[tilespmem:s14+$0x30] =	vst v11  }
0x76: {  	[tilespmem:s8+$0xFFFFFFE0] =	vst v14;
	v14 =	vadd.s32 s0, v5  }
0x77: {  	v15 =	vld.idx.msk [tilespmem:v16+s12+$0x0], $0xffff;
	[tilespmem:s20+$0xFFFFFFE0] =	vst v17  }
0x78: {  	v16 =	vadd.s32 s7, v5;
	v17 =	vld.idx.msk [tilespmem:v18+s12+$0x0], $0xffff;
	[tilespmem:s21+$0xFFFFFFE0] =	vst v19  }
0x79: {  	v11 =	vadd.s32 s11, v5;
	[tilespmem:s30+$0x20] =	vst v12;
	v18 =	vld.idx.msk [tilespmem:v20+s12+$0x0], $0xffff  }
0x7a: {  	v10 =	vld.idx.msk [tilespmem:v10+s12+$0x0], $0xffff;
	v12 =	vadd.s32 s19, v5;
	[tilespmem:s3+$0xFFFFFFF0] =	vst v13  }
0x7b: {  	[tilespmem:s26+$0x10] =	vst v9;
	v13 =	vadd.s32 s31, v6;
	v14 =	vld.idx.msk [tilespmem:v14+s12+$0x0], $0xffff  }
0x7c: {  	[tilespmem:s8+$0xFFFFFFF0] =	vst v15;
	v15 =	vadd.s32 s0, v6  }
0x7d: {  	v19 =	vadd.s32 s2, v8;
	v16 =	vld.idx.msk [tilespmem:v16+s12+$0x0], $0xffff;
	[tilespmem:s20+$0xFFFFFFF0] =	vst v17  }
0x7e: {  	v17 =	vadd.s32 s7, v6;
	v11 =	vld.idx.msk [tilespmem:v11+s12+$0x0], $0xffff;
	[tilespmem:s21+$0xFFFFFFF0] =	vst v18  }
0x7f: {  	v9 =	vadd.s32 s11, v6;
	[tilespmem:s29+$0x0] =	vst v10;
	v12 =	vld.idx.msk [tilespmem:v12+s12+$0x0], $0xffff  }
0x80: {  	v10 =	vadd.s32 s19, v6;
	v13 =	vld.idx.msk [tilespmem:v13+s12+$0x0], $0xffff;
	[tilespmem:s3+$0x0] =	vst v14  }
0x81: {  	v14 =	vadd.s32 s31, v7;
	v15 =	vld.idx.msk [tilespmem:v15+s12+$0x0], $0xffff  }
0x82: {  	v18 =	vld.idx.msk [tilespmem:v19+s12+$0x0], $0xffff;
	v19 =	vadd.s32 s28, v7;
	[tilespmem:s8+$0x0] =	vst v16  }
0x83: {  	v16 =	vadd.s32 s0, v7;
	v17 =	vld.idx.msk [tilespmem:v17+s12+$0x0], $0xffff;
	[tilespmem:s20+$0x0] =	vst v11  }
0x84: {  	v11 =	vadd.s32 s7, v7;
	v9 =	vld.idx.msk [tilespmem:v9+s12+$0x0], $0xffff;
	[tilespmem:s21+$0x0] =	vst v12  }
0x85: {  	[tilespmem:s29+$0x10] =	vst v13;
	v12 =	vadd.s32 s11, v7;
	v10 =	vld.idx.msk [tilespmem:v10+s12+$0x0], $0xffff  }
0x86: {  	v13 =	vadd.s32 s19, v7;
	v14 =	vld.idx.msk [tilespmem:v14+s12+$0x0], $0xffff;
	[tilespmem:s3+$0x10] =	vst v15  }
0x87: {  	v15 =	vadd.s32 s31, v8;
	[tilespmem:s30+$0x30] =	vst v18;
	v18 =	vld.idx.msk [tilespmem:v19+s12+$0x0], $0xffff  }
0x88: {  	v19 =	vadd.s32 s28, v8;
	v16 =	vld.idx.msk [tilespmem:v16+s12+$0x0], $0xffff;
	[tilespmem:s8+$0x10] =	vst v17  }
0x89: {  	v17 =	vadd.s32 s0, v8;
	v11 =	vld.idx.msk [tilespmem:v11+s12+$0x0], $0xffff;
	[tilespmem:s20+$0x10] =	vst v9  }
0x8a: {  	v9 =	vadd.s32 s7, v8;
	v12 =	vld.idx.msk [tilespmem:v12+s12+$0x0], $0xffff;
	[tilespmem:s21+$0x10] =	vst v10  }
0x8b: {  	[tilespmem:s29+$0x20] =	vst v14;
	v10 =	vadd.s32 s11, v8;
	v13 =	vld.idx.msk [tilespmem:v13+s12+$0x0], $0xffff  }
0x8c: {  	v14 =	vadd.s32 s19, v8;
	v15 =	vld.idx.msk [tilespmem:v15+s12+$0x0], $0xffff;
	[tilespmem:s26+$0x20] =	vst v18  }
0x8d: {  	[tilespmem:s3+$0x20] =	vst v16;
	v18 =	vld.idx.msk [tilespmem:v19+s12+$0x0], $0xffff  }
0x8e: {  	v16 =	vld.idx.msk [tilespmem:v17+s12+$0x0], $0xffff;
	[tilespmem:s8+$0x20] =	vst v11  }
0x8f: {  	v9 =	vld.idx.msk [tilespmem:v9+s12+$0x0], $0xffff;
	[tilespmem:s20+$0x20] =	vst v12  }
0x90: {  	v10 =	vld.idx.msk [tilespmem:v10+s12+$0x0], $0xffff;
	[tilespmem:s21+$0x20] =	vst v13  }
0x91: {  	[tilespmem:s29+$0x30] =	vst v15;
	v11 =	vld.idx.msk [tilespmem:v14+s12+$0x0], $0xffff  }
0x92: {  	[tilespmem:s26+$0x30] =	vst v18  }
0x93: {  	[tilespmem:s3+$0x30] =	vst v16  }
0x94: {  	[tilespmem:s8+$0x30] =	vst v9  }
0x95: {  	[tilespmem:s20+$0x30] =	vst v10  }
0x96: {  	s0 =	simm.s32 @p1 $0x2;
	s26 =	sadd.s32 s13, s9;
	[tilespmem:s21+$0x30] =	vst v11  }
0x97: {  	[hbm4b:s26+s5] =	stream.linear.scatter [tilespmem:s17], [sflag:$0x3], $0x4000, $0x38;
	[tilespmem:$0x10280] =	vst v63  }
0x98: {  	s2 =	sadd.s32 @!p1 s25, s10;
	_ =	swait.ge @p1 [sflag:s0], $0x4000  }
0x99: {  	s2 =	sshll.u32 @!p1 s2, $0x4;
	[sflag:s0] =	ssyncset.done @p1 $0x0  }
0x9a: {  	s31 =	simm.s32 $0x0;
	[sflag:s0] =	ssyncadd.s32 @p1 $0xFFFFC000;
	s0 =	sand.u32 @!p1 $0x1FFFF000, s2  }
0x9b: {  	s3 =	simm.s32 @!p1 $0x280;
	s2 =	simm.s32 @!p1 $0x0;
	s0 =	sadd.s32 @!p1 s1, s0  }
0x9c: {  	[tilespmem:s3], [sflag:$0x1] =	stream.linear.gather @!p1 [hbm4b:s0+s2], $0x4000, $0x38;
	[tilespmem:$0x10280] =	vst v63  }
0x9d: {  	v9 =	vadd.s32 s31, v1;
	s0 =	simm.s32 @!p1 $0x2  }
0x9e: {  	s0 =	simm.s32 @p1 $0x4  }
0x9f: {  	_ =	swait.ge [sflag:s0], $0x4000  }
0xa0: {  	[sflag:s0] =	ssyncset.done $0x0  }
0xa1: {  	[sflag:s0] =	ssyncadd.s32 $0xFFFFC000  }
0xa2: {  	v9 =	vld.idx.msk [tilespmem:v9+s15+$0x0], $0xffff  }
0xa3: {  	v10 =	vadd.s32 s31, v2;
	s2 =	simm.s32 $0x80  }
0xa4: {  	v11 =	vadd.s32 s2, v1;
	_ =	sdelay $0x1  }
0xa5: {  	s7 =	simm.s32 $0xC2C0  }
0xa6: {  	[tilespmem:s7+$0xFFFFFFC0] =	vst v9  }
0xa7: {  	v9 =	vld.idx.msk [tilespmem:v10+s15+$0x0], $0xffff  }
0xa8: {  	v10 =	vld.idx.msk [tilespmem:v11+s15+$0x0], $0xffff;
	v11 =	vadd.s32 s31, v3  }
0xa9: {  	s26 =	simm.s32 $0x100;
	v12 =	vadd.s32 s2, v2  }
0xaa: {  	v13 =	vadd.s32 s26, v1;
	_ =	sdelay $0x1  }
0xab: {  	s29 =	simm.s32 $0xC340;
	[tilespmem:s7+$0xFFFFFFD0] =	vst v9  }
0xac: {  	[tilespmem:s29+$0xFFFFFFC0] =	vst v10;
	v9 =	vld.idx.msk [tilespmem:v11+s15+$0x0], $0xffff  }
0xad: {  	v10 =	vld.idx.msk [tilespmem:v12+s15+$0x0], $0xffff;
	v11 =	vadd.s32 s31, v4  }
0xae: {  	v12 =	vld.idx.msk [tilespmem:v13+s15+$0x0], $0xffff;
	v13 =	vadd.s32 s2, v3  }
0xaf: {  	s30 =	simm.s32 $0x180;
	v14 =	vadd.s32 s26, v2  }
0xb0: {  	v15 =	vadd.s32 s30, v1  }
0xb1: {  	[tilespmem:s7+$0xFFFFFFE0] =	vst v9  }
0xb2: {  	s25 =	simm.s32 $0xC3C0;
	[tilespmem:s29+$0xFFFFFFD0] =	vst v10;
	v9 =	vld.idx.msk [tilespmem:v11+s15+$0x0], $0xffff  }
0xb3: {  	[tilespmem:s25+$0xFFFFFFC0] =	vst v12;
	v10 =	vld.idx.msk [tilespmem:v13+s15+$0x0], $0xffff;
	v11 =	vadd.s32 s31, v5  }
0xb4: {  	v12 =	vld.idx.msk [tilespmem:v14+s15+$0x0], $0xffff;
	v13 =	vadd.s32 s2, v4  }
0xb5: {  	v14 =	vld.idx.msk [tilespmem:v15+s15+$0x0], $0xffff;
	v15 =	vadd.s32 s26, v3  }
0xb6: {  	v16 =	vadd.s32 s30, v2;
	s0 =	simm.s32 $0x200  }
0xb7: {  	v17 =	vadd.s32 s0, v1;
	[tilespmem:s7+$0xFFFFFFF0] =	vst v9  }
0xb8: {  	[tilespmem:s29+$0xFFFFFFE0] =	vst v10;
	v9 =	vld.idx.msk [tilespmem:v11+s15+$0x0], $0xffff  }
0xb9: {  	s28 =	simm.s32 $0xC440;
	[tilespmem:s25+$0xFFFFFFD0] =	vst v12;
	v10 =	vld.idx.msk [tilespmem:v13+s15+$0x0], $0xffff;
	v11 =	vadd.s32 s31, v6  }
0xba: {  	[tilespmem:s28+$0xFFFFFFC0] =	vst v14;
	v12 =	vld.idx.msk [tilespmem:v15+s15+$0x0], $0xffff;
	v13 =	vadd.s32 s2, v5  }
0xbb: {  	v14 =	vld.idx.msk [tilespmem:v16+s15+$0x0], $0xffff;
	v15 =	vadd.s32 s26, v4  }
0xbc: {  	v16 =	vld.idx.msk [tilespmem:v17+s15+$0x0], $0xffff;
	v17 =	vadd.s32 s30, v3  }
0xbd: {  	[tilespmem:s7+$0x0] =	vst v9  }
0xbe: {  	s14 =	simm.s32 $0x280;
	v18 =	vadd.s32 s0, v2;
	[tilespmem:s29+$0xFFFFFFF0] =	vst v10;
	v10 =	vld.idx.msk [tilespmem:v11+s15+$0x0], $0xffff  }
0xbf: {  	v9 =	vadd.s32 s14, v1;
	[tilespmem:s25+$0xFFFFFFE0] =	vst v12;
	v11 =	vld.idx.msk [tilespmem:v13+s15+$0x0], $0xffff  }
0xc0: {  	v12 =	vadd.s32 s31, v7;
	[tilespmem:s28+$0xFFFFFFD0] =	vst v14;
	v13 =	vld.idx.msk [tilespmem:v15+s15+$0x0], $0xffff  }
0xc1: {  	s3 =	simm.s32 $0xC4C0;
	v14 =	vadd.s32 s2, v6;
	v15 =	vld.idx.msk [tilespmem:v17+s15+$0x0], $0xffff  }
0xc2: {  	[tilespmem:s3+$0xFFFFFFC0] =	vst v16;
	v16 =	vadd.s32 s26, v5  }
0xc3: {  	v17 =	vld.idx.msk [tilespmem:v18+s15+$0x0], $0xffff;
	v18 =	vadd.s32 s30, v4;
	[tilespmem:s7+$0x10] =	vst v10  }
0xc4: {  	v19 =	vadd.s32 s0, v3;
	v9 =	vld.idx.msk [tilespmem:v9+s15+$0x0], $0xffff;
	[tilespmem:s29+$0x0] =	vst v11  }
0xc5: {  	v10 =	vadd.s32 s14, v2;
	[tilespmem:s25+$0xFFFFFFF0] =	vst v13;
	v11 =	vld.idx.msk [tilespmem:v12+s15+$0x0], $0xffff  }
0xc6: {  	s11 =	simm.s32 $0x300;
	[tilespmem:s28+$0xFFFFFFE0] =	vst v15;
	v15 =	vadd.s32 s31, v8;
	v20 =	vld.idx.msk [tilespmem:v14+s15+$0x0], $0xffff  }
0xc7: {  	v12 =	vadd.s32 s11, v1;
	v21 =	vld.idx.msk [tilespmem:v16+s15+$0x0], $0xffff  }
0xc8: {  	s8 =	simm.s32 $0xC540;
	[tilespmem:s3+$0xFFFFFFD0] =	vst v17;
	v22 =	vld.idx.msk [tilespmem:v18+s15+$0x0], $0xffff;
	v18 =	vadd.s32 s2, v7  }
0xc9: {  	v13 =	vld.idx.msk [tilespmem:v19+s15+$0x0], $0xffff;
	[tilespmem:s8+$0xFFFFFFC0] =	vst v9;
	v9 =	vadd.s32 s26, v6  }
0xca: {  	v14 =	vld.idx.msk [tilespmem:v10+s15+$0x0], $0xffff;
	v10 =	vadd.s32 s30, v5;
	[tilespmem:s7+$0x20] =	vst v11  }
0xcb: {  	v11 =	vld.idx.msk [tilespmem:v15+s15+$0x0], $0xffff;
	v15 =	vadd.s32 s0, v4  }
0xcc: {  	v17 =	vadd.s32 s14, v3;
	v16 =	vld.idx.msk [tilespmem:v12+s15+$0x0], $0xffff;
	[tilespmem:s29+$0x10] =	vst v20  }
0xcd: {  	s13 =	simm.s32 $0x380;
	[tilespmem:s25+$0x0] =	vst v21;
	v12 =	vld.idx.msk [tilespmem:v18+s15+$0x0], $0xffff;
	v18 =	vadd.s32 s11, v2  }
0xce: {  	s19 =	simm.s32 $0xC540;
	s20 =	simm.s32 $0x400;
	v19 =	vadd.s32 s13, v1;
	[tilespmem:s28+$0xFFFFFFF0] =	vst v22;
	v9 =	vld.idx.msk [tilespmem:v9+s15+$0x0], $0xffff  }
.LBB2_7:
0xcf: {  	p1 =	sne.s32 s20, $0x3F80;
	[tilespmem:s3+$0xFFFFFFE0] =	vst v13;
	v20 =	vld.idx.msk [tilespmem:v10+s15+$0x0], $0xffff;
	v21 =	vadd.s32 s2, v8;
	s2 =	smov.u32 s26;
	s26 =	smov.u32 s30  }
0xd0: {  	s19 =	sadd.s32 $0x80, s19;
	s30 =	smov.u32 s0;
	s0 =	smov.u32 s14;
	[tilespmem:s8+$0xFFFFFFD0] =	vst v14;
	v22 =	vld.idx.msk [tilespmem:v15+s15+$0x0], $0xffff;
	v23 =	vadd.s32 s2, v7  }
0xd1: {  	s14 =	smov.u32 s11;
	s11 =	smov.u32 s13;
	s13 =	smov.u32 s20;
	v24 =	vadd.s32 s26, v6;
	[tilespmem:s19+$0xFFFFFFC0] =	vst v16;
	v13 =	vld.idx.msk [tilespmem:v17+s15+$0x0], $0xffff  }
.Ltmp2:
0xd2: {  	v10 =	vadd.s32 s30, v5;
	v14 =	vld.idx.msk [tilespmem:v18+s15+$0x0], $0xffff;
	[tilespmem:s7+$0x30] =	vst v11;
	s7 =	smov.u32 s29;
	s29 =	smov.u32 s25;
	(pc) =	sbr.rel @p1 .LBB2_7-.Ltmp2, $4  }
0xd3: {  	v15 =	vadd.s32 s0, v4;
	s25 =	smov.u32 s28;
	s28 =	smov.u32 s3;
	s3 =	smov.u32 s8;
	v16 =	vld.idx.msk [tilespmem:v19+s15+$0x0], $0xffff;
	[tilespmem:s7+$0x20] =	vst v12  }
0xd4: {  	v17 =	vadd.s32 s14, v3;
	s8 =	smov.u32 s19;
	[tilespmem:s29+$0x10] =	vst v9;
	v11 =	vld.idx.msk [tilespmem:v21+s15+$0x0], $0xffff  }
0xd5: {  	v18 =	vadd.s32 s11, v2;
	[tilespmem:s25+$0x0] =	vst v20;
	v12 =	vld.idx.msk [tilespmem:v23+s15+$0x0], $0xffff  }
0xd6: {  	s20 =	sadd.s32 $0x80, s20;
	v19 =	vadd.s32 s13, v1;
	[tilespmem:s28+$0xFFFFFFF0] =	vst v22;
	v9 =	vld.idx.msk [tilespmem:v24+s15+$0x0], $0xffff  }
0xd7: {  	_ =	sdelay $0x3  }
0xd8: {  	v19 =	vld.idx.msk [tilespmem:v19+s15+$0x0], $0xffff  }
0xd9: {  	v20 =	vadd.s32 s13, v2;
	_ =	sdelay $0x1  }
0xda: {  	s19 =	sadd.s32 $0x80, s19  }
0xdb: {  	[tilespmem:s19+$0xFFFFFFC0] =	vst v16;
	s20 =	sadd.s32 $0x80, s19  }
0xdc: {  	v16 =	vld.idx.msk [tilespmem:v18+s15+$0x0], $0xffff;
	[tilespmem:s20+$0xFFFFFFC0] =	vst v19  }
0xdd: {  	v38 =	vadd.s32 s11, v3;
	v19 =	vld.idx.msk [tilespmem:v20+s15+$0x0], $0xffff  }
0xde: {  	v39 =	vadd.s32 s13, v3;
	_ =	sdelay $0x1  }
0xdf: {  	[tilespmem:s8+$0xFFFFFFD0] =	vst v14  }
0xe0: {  	v14 =	vld.idx.msk [tilespmem:v17+s15+$0x0], $0xffff;
	[tilespmem:s19+$0xFFFFFFD0] =	vst v16  }
0xe1: {  	v40 =	vadd.s32 s14, v4;
	v41 =	vld.idx.msk [tilespmem:v38+s15+$0x0], $0xffff;
	[tilespmem:s20+$0xFFFFFFD0] =	vst v19  }
0xe2: {  	v42 =	vadd.s32 s11, v4;
	v19 =	vld.idx.msk [tilespmem:v39+s15+$0x0], $0xffff  }
0xe3: {  	v43 =	vadd.s32 s13, v4  }
0xe4: {  	[tilespmem:s3+$0xFFFFFFE0] =	vst v13  }
0xe5: {  	v13 =	vld.idx.msk [tilespmem:v15+s15+$0x0], $0xffff;
	[tilespmem:s8+$0xFFFFFFE0] =	vst v14  }
0xe6: {  	v44 =	vadd.s32 s0, v5;
	v45 =	vld.idx.msk [tilespmem:v40+s15+$0x0], $0xffff;
	[tilespmem:s19+$0xFFFFFFE0] =	vst v41  }
0xe7: {  	v46 =	vadd.s32 s14, v5;
	v17 =	vld.idx.msk [tilespmem:v42+s15+$0x0], $0xffff;
	[tilespmem:s20+$0xFFFFFFE0] =	vst v19  }
0xe8: {  	[tilespmem:s7+$0x30] =	vst v11;
	v11 =	vadd.s32 s11, v5;
	v47 =	vld.idx.msk [tilespmem:v43+s15+$0x0], $0xffff  }
0xe9: {  	v48 =	vadd.s32 s13, v5;
	[tilespmem:s29+$0x20] =	vst v12  }
0xea: {  	v10 =	vld.idx.msk [tilespmem:v10+s15+$0x0], $0xffff;
	v49 =	vadd.s32 s2, v8;
	[tilespmem:s3+$0xFFFFFFF0] =	vst v13  }
0xeb: {  	v50 =	vadd.s32 s30, v6;
	v14 =	vld.idx.msk [tilespmem:v44+s15+$0x0], $0xffff;
	[tilespmem:s8+$0xFFFFFFF0] =	vst v45  }
0xec: {  	v51 =	vadd.s32 s0, v6;
	v16 =	vld.idx.msk [tilespmem:v46+s15+$0x0], $0xffff;
	[tilespmem:s19+$0xFFFFFFF0] =	vst v17  }
0xed: {  	v52 =	vadd.s32 s14, v6;
	v11 =	vld.idx.msk [tilespmem:v11+s15+$0x0], $0xffff;
	[tilespmem:s20+$0xFFFFFFF0] =	vst v47  }
0xee: {  	[tilespmem:s25+$0x10] =	vst v9;
	v9 =	vadd.s32 s11, v6;
	v12 =	vld.idx.msk [tilespmem:v48+s15+$0x0], $0xffff  }
0xef: {  	v53 =	vld.idx.msk [tilespmem:v49+s15+$0x0], $0xffff;
	[tilespmem:s28+$0x0] =	vst v10;
	v10 =	vadd.s32 s13, v6  }
0xf0: {  	v54 =	vadd.s32 s26, v7;
	v13 =	vld.idx.msk [tilespmem:v50+s15+$0x0], $0xffff;
	[tilespmem:s3+$0x0] =	vst v14  }
0xf1: {  	v55 =	vadd.s32 s30, v7;
	v15 =	vld.idx.msk [tilespmem:v51+s15+$0x0], $0xffff;
	[tilespmem:s8+$0x0] =	vst v16  }
0xf2: {  	v56 =	vadd.s32 s0, v7;
	v17 =	vld.idx.msk [tilespmem:v52+s15+$0x0], $0xffff;
	[tilespmem:s19+$0x0] =	vst v11  }
0xf3: {  	v11 =	vadd.s32 s14, v7;
	v9 =	vld.idx.msk [tilespmem:v9+s15+$0x0], $0xffff;
	[tilespmem:s20+$0x0] =	vst v12  }
0xf4: {  	v57 =	vadd.s32 s11, v7;
	[tilespmem:s29+$0x30] =	vst v53;
	v10 =	vld.idx.msk [tilespmem:v10+s15+$0x0], $0xffff  }
0xf5: {  	v59 =	vadd.s32 s13, v7;
	v58 =	vld.idx.msk [tilespmem:v54+s15+$0x0], $0xffff;
	[tilespmem:s28+$0x10] =	vst v13  }
0xf6: {  	v60 =	vadd.s32 s26, v8;
	v14 =	vld.idx.msk [tilespmem:v55+s15+$0x0], $0xffff;
	[tilespmem:s3+$0x10] =	vst v15  }
0xf7: {  	v61 =	vadd.s32 s30, v8;
	v16 =	vld.idx.msk [tilespmem:v56+s15+$0x0], $0xffff;
	[tilespmem:s8+$0x10] =	vst v17  }
0xf8: {  	v62 =	vadd.s32 s0, v8;
	v11 =	vld.idx.msk [tilespmem:v11+s15+$0x0], $0xffff;
	[tilespmem:s19+$0x10] =	vst v9  }
0xf9: {  	v9 =	vadd.s32 s14, v8;
	v12 =	vld.idx.msk [tilespmem:v57+s15+$0x0], $0xffff;
	[tilespmem:s20+$0x10] =	vst v10  }
0xfa: {  	[tilespmem:s25+$0x20] =	vst v58;
	v10 =	vadd.s32 s11, v8;
	v13 =	vld.idx.msk [tilespmem:v59+s15+$0x0], $0xffff  }
0xfb: {  	v63 =	vadd.s32 s13, v8;
	v18 =	vld.idx.msk [tilespmem:v60+s15+$0x0], $0xffff;
	[tilespmem:s28+$0x20] =	vst v14  }
0xfc: {  	v15 =	vld.idx.msk [tilespmem:v61+s15+$0x0], $0xffff;
	[tilespmem:s3+$0x20] =	vst v16  }
0xfd: {  	v16 =	vld.idx.msk [tilespmem:v62+s15+$0x0], $0xffff;
	[tilespmem:s8+$0x20] =	vst v11  }
0xfe: {  	v9 =	vld.idx.msk [tilespmem:v9+s15+$0x0], $0xffff;
	[tilespmem:s19+$0x20] =	vst v12  }
0xff: {  	v10 =	vld.idx.msk [tilespmem:v10+s15+$0x0], $0xffff;
	[tilespmem:s20+$0x20] =	vst v13  }
0x100: {  	[tilespmem:s25+$0x30] =	vst v18;
	v11 =	vld.idx.msk [tilespmem:v63+s15+$0x0], $0xffff  }
0x101: {  	[tilespmem:s28+$0x30] =	vst v15  }
.Ltmp3:
0x102: {  	[tilespmem:s3+$0x30] =	vst v16;
	(pc) =	sbr.rel @p0 .LBB2_4-.Ltmp3, $4  }
0x103: {  	[tilespmem:s8+$0x30] =	vst v9  }
0x104: {  	s31 =	sadd.s32 s4, s24;
	[tilespmem:s19+$0x30] =	vst v10  }
0x105: {  	p2 =	por $0x0, $0x0;
	p1 =	por $0x1, $0x1;
	s13 =	simm.s32 $0x1;
	[tilespmem:s20+$0x30] =	vst v11  }
0x106: {  	[hbm4b:s31+s5] =	stream.linear.scatter [tilespmem:s18], [sflag:$0x4], $0x4000, $0x38;
	[tilespmem:$0x10280] =	vst v63  }
0x107: {  	s0 =	simm.s32 $0x3  }
0x108: {  	_ =	swait.ge [sflag:s0], $0x4000  }
0x109: {  	[sflag:s0] =	ssyncset.done $0x0  }
0x10a: {  	s30 =	simm.s32 $0x4;
	[sflag:s0] =	ssyncadd.s32 $0xFFFFC000  }
0x10b: {  	_ =	swait.ge [sflag:s30], $0x4000  }
0x10c: {  	[sflag:s30] =	ssyncset.done $0x0  }
0x10d: {  	s2 =	simm.s32 $0x5;
	[sflag:s30] =	ssyncadd.s32 $0xFFFFC000  }
0x10e: {  	_ =	swait.ge [sflag:s2], $0x200  }
0x10f: {  	s22 =	sadd.s32 $0x1, s22;
	s31 =	rddreg [dreg:$0x7]  }
0x110: {  	p0 =	sne.s32 s22, s31  }
.Ltmp4:
0x111: {  	_ = 	snop;
	(pc) =	sbr.rel @p0 .LBB2_1-.Ltmp4, $3  }
0x112: {  	_ =	sdelay $0x1  }
0x113: {  	[sflag:s2] =	ssyncset.done $0x0  }
0x114: {  	s3 =	simm.s32 $0x80;
	[sflag:s2] =	ssyncadd.s32 $0xFFFFFE00  }
0x115: {  	_ =	sfence.sel $0x180000  }
0x116: {  	[bflag:$0x0] =	sbarrier.arrive $0xFFFF  }
0x117: {  	_ =	strace $0x90000047  }
0x118: {  	s0 =	stileid.u32;
	[bflag:$0x2] =	sbarrier.arrive $0xFFFF  }
0x119: {  	p0 =	sne.s32 s0, $0x0;
	s0 =	rddreg [dreg:$0x4]  }
0x11a: {  	s0 =	sadd.s32 @!p0 $0x100000, s0  }
0x11b: {  	[sflag:s0] =	ssyncadd.tile.s32 @!p0 $0x1;
	_ =	shalt  }
.Lfunc_end2:
_tile_overlayer_lowered:
.L_overlay_start_2:
0x11c: {  	(tag) =	ssettag $0x2  }
0x11d: {  	s0 =	rddreg [dreg:$0x0];
	s2 =	stileid.u32  }
0x11e: {  	s1 =	rddreg [dreg:$0x1];
	p0 =	sne.s32 s2, $0x0  }
0x11f: {  	s3 =	rddreg [dreg:$0x2];
	[bflag:$0x3] =	sbarrier.arrive $0xFFFF;
	s2 =	simm.s32 @!p0 $0x1C06  }
0x120: {  	[timem:s3], [sflag:s2] =	dma.local @!p0 [hbm:s0], s1  }
0x121: {  	s0 =	simm.s32 @!p0 $0x6  }
0x122: {  	_ =	swait.ge @!p0 [sflag:s0], s1  }
0x123: {  	s1 =	ssub.s32 @!p0 $0x0, s1;
	[sflag:s0] =	ssyncset.done @!p0 $0x0  }
0x124: {  	[sflag:s0] =	ssyncadd.s32 @!p0 s1  }
0x125: {  	[bflag:$0x3] =	sbarrier.arrive $0xFFFF  }
0x126: {  	_ =	shalt  }

</sc_bundles>
